<compile_context>
chip_gen: v7x
topology: tpu7x:2x2x1
jax: 0.10.2.dev20260603
libtpu: 0.0.44.dev20260713+nightly
codegen_flags: <defaults>
</compile_context>

<pallas_src>
import functools

import jax
import jax.numpy as jnp
from jax import lax
from jax.experimental import pallas as pl
from jax.experimental.pallas import tpu as pltpu
from jax.experimental.pallas import tpu_sc as plsc

N_FIELDS = 26
VOCAB = 100000
EMBED = 32
BATCH = 16384
LROW = 128

NC = 2
NS = 16
NW = NC * NS

VROWS = 100008

TOT = BATCH * N_FIELDS
PER_W = TOT // NW
CHUNK = 832
NCHUNK = PER_W // CHUNK

_mesh = plsc.VectorSubcoreMesh(core_axis_name="c", subcore_axis_name="s")


@functools.partial(
    pl.kernel,
    mesh=_mesh,
    out_type=jax.ShapeDtypeStruct((TOT, EMBED), jnp.float32),
    scratch_types=[
        pltpu.VMEM((PER_W,), jnp.int32),
        pltpu.VMEM((CHUNK, LROW), jnp.float32),
        pltpu.SemaphoreType.DMA,
    ],
    compiler_params=pltpu.CompilerParams(use_tc_tiling_on_sc=False),
)
def _gather_kernel(xg_hbm, tab_hbm, out_hbm, idx_v, rows_v, sem):
    wid = lax.axis_index("s") * NC + lax.axis_index("c")
    base = wid * PER_W

    pltpu.sync_copy(xg_hbm.at[pl.ds(base, PER_W)], idx_v)

    lanes = lax.iota(jnp.int32, 16)

    def add_body(r, _):
        for j in range(8):
            s = r * 128 + j * 16
            p0 = base + s
            field = lax.rem(p0 + lanes, N_FIELDS)
            idx_v[pl.ds(s, 16)] = idx_v[pl.ds(s, 16)] + field * VROWS
        return 0

    lax.fori_loop(0, PER_W // 128, add_body, 0)

    def chunk_body(c, _):
        kb = c * CHUNK
        pltpu.async_copy(tab_hbm.at[idx_v.at[pl.ds(kb, CHUNK)]], rows_v, sem).wait()
        pltpu.sync_copy(
            rows_v.at[:, pl.ds(0, EMBED)], out_hbm.at[pl.ds(base + kb, CHUNK)]
        )
        return 0

    lax.fori_loop(0, NCHUNK, chunk_body, 0)


def kernel(x, tables):
    xg = x.reshape(-1).astype(jnp.int32)
    tabp = jnp.pad(tables, ((0, 0), (0, VROWS - VOCAB - 1), (0, LROW - EMBED)))
    tab = tabp.reshape(N_FIELDS * VROWS, LROW)
    out = _gather_kernel(xg, tab)
    return out.reshape(BATCH, N_FIELDS * EMBED)

# --- scband reference (transcript-rebuilt; emitter-appended) ---
"""Pipeline reference for scband-features-embedding-16733192585728 (READ-ONLY COPY).

The authoritative reference and input builder live on the scoring server;
editing this copy changes nothing except your own understanding.
"""

import jax, jax.numpy as jnp
import numpy as np

N_FIELDS = 26
VOCAB = 100000
EMBED = 32
BATCH = 16384


def setup_inputs(seed: int = 0) -> dict:
    key = jax.random.key(seed)
    k1, k2 = jax.random.split(key)
    # indices per field, values in [0, VOCAB); table rows = VOCAB + 1 (row 0 = padding)
    x = jax.random.randint(k1, (BATCH, N_FIELDS), 0, VOCAB)
    # all fields share the same (field_size+1, embed_size) so stack into one tensor
    tables = jax.random.normal(k2, (N_FIELDS, VOCAB + 1, EMBED), dtype=jnp.float32) * 0.01
    # padding_idx=0 -> padding row is zero
    tables = tables.at[:, 0, :].set(0.0)
    return {"x": x, "tables": tables}


def reference(x, tables):
    # emulate nn.Embedding(padding_idx=0): row 0 always reads as zeros
    tabs = tables.at[:, 0, :].set(0.0)
    embs = []
    for i in range(N_FIELDS):
        embs.append(jnp.take(tabs[i], x[:, i], axis=0))
    return jnp.concatenate(embs, axis=-1)

if __name__ == "__main__":
    import jax
    _d = setup_inputs()
    print(jax.jit(kernel)(*tuple(_d.values())))

</pallas_src>

<mosaic_0001>
#map = affine_map<(d0, d1) -> (0)>
#map1 = affine_map<(d0, d1) -> (0, 0)>
module attributes {stable_mosaic.version = 14 : i64} {
  func.func @_gather_kernel(%arg0: i32, %arg1: i32, %arg2: memref<425984xi32, #tpu.memory_space<hbm>>, %arg3: memref<2600208x128xf32, #tpu.memory_space<hbm>>, %arg4: memref<425984x32xf32, #tpu.memory_space<hbm>>, %arg5: memref<13312xi32, #tpu.memory_space<vmem>>, %arg6: memref<832x128xf32, #tpu.memory_space<vmem>>, %arg7: memref<!tpu.dma_semaphore, #tpu.memory_space<semaphore_mem>>) attributes {dimension_semantics = [#tpu.dimension_semantics<core_parallel>, #tpu.dimension_semantics<subcore_parallel>], iteration_bounds = array<i64: 2, 16>, scalar_prefetch = 0 : i64, scratch_operands = 3 : i64, tpu.core_type = #tpu.core_type<sc_vector_subcore>, window_params = [{transform_indices = #map}, {transform_indices = #map1}, {transform_indices = #map1}]} {
    %mul3A = arith.constant 2 : i32
    %mul3A_0 = arith.muli %arg1, %mul3A : i32
    %add3A = arith.addi %mul3A_0, %arg0 : i32
    %mul3A_1 = arith.constant 13312 : i32
    %mul3A_2 = arith.muli %add3A, %mul3A_1 : i32
    "tpu.region"() ({
      %run_scoped3A = tpu.sem_alloc : memref<!tpu.dma_semaphore, #tpu.memory_space<semaphore_mem>>
      %dma_start3A = tpu.memref_slice %arg2[%mul3A_2] : memref<425984xi32, #tpu.memory_space<hbm>> -> memref<13312xi32, #tpu.memory_space<hbm>>
      %dma_start3A_16 = tpu.memref_slice %arg2[%mul3A_2] : memref<425984xi32, #tpu.memory_space<hbm>> -> memref<13312xi32, #tpu.memory_space<hbm>>
      tpu.enqueue_dma source(%dma_start3A_16 : memref<13312xi32, #tpu.memory_space<hbm>>) target(%arg5 : memref<13312xi32, #tpu.memory_space<vmem>>) target_semaphore(%run_scoped3A : memref<!tpu.dma_semaphore, #tpu.memory_space<semaphore_mem>>)
      %dma_wait3A = tpu.memref_slice %arg2[%mul3A_2] : memref<425984xi32, #tpu.memory_space<hbm>> -> memref<13312xi32, #tpu.memory_space<hbm>>
      %dma_wait3A_17 = tpu.memref_slice %arg2[%mul3A_2] : memref<425984xi32, #tpu.memory_space<hbm>> -> memref<13312xi32, #tpu.memory_space<hbm>>
      tpu.wait_dma2 semaphore(%run_scoped3A : memref<!tpu.dma_semaphore, #tpu.memory_space<semaphore_mem>>) src(%dma_wait3A_17 : memref<13312xi32, #tpu.memory_space<hbm>>) dst(%arg5 : memref<13312xi32, #tpu.memory_space<vmem>>)
      tpu.yield
    }) : () -> ()
    %iota3A = tpu.iota {dimensions = array<i32: 0>} : vector<16xi32>
    %scan3A = arith.constant 0 : i32
    %scan3A_3 = arith.constant 0 : i32
    %scan3A_4 = arith.constant 104 : i32
    %scan3A_5 = arith.addi %scan3A_3, %scan3A_4 : i32
    %scan3A_6 = arith.constant 1 : i32
    %scan3A_7 = scf.for %scan3A_16 = %scan3A_3 to %scan3A_5 step %scan3A_6 iter_args(%scan3A_17 = %scan3A) -> (i32)  : i32 {
      %mul3A_18 = arith.constant 128 : i32
      %mul3A_19 = arith.muli %scan3A_16, %mul3A_18 : i32
      %add3A_20 = arith.constant 0 : i32
      %add3A_21 = arith.addi %mul3A_19, %add3A_20 : i32
      %add3A_22 = arith.addi %mul3A_2, %add3A_21 : i32
      %add3A_23 = vector.broadcast %add3A_22 : i32 to vector<16xi32>
      %add3A_24 = arith.addi %add3A_23, %iota3A : vector<16xi32>
      %rem3A = arith.constant 26 : i32
      %rem3A_25 = vector.broadcast %rem3A : i32 to vector<16xi32>
      %rem3A_26 = arith.remsi %add3A_24, %rem3A_25 : vector<16xi32>
      %get3A = arith.index_cast %add3A_21 : i32 to index
      %get3A_27 = tpu.vector_load %arg5[%get3A] {strides = array<i32>} : memref<13312xi32, #tpu.memory_space<vmem>>, vector<16xi32>,
      %get3A_28 = vector.shape_cast %get3A_27 : vector<16xi32> to vector<16xi32>
      %mul3A_29 = arith.constant 100008 : i32
      %mul3A_30 = vector.broadcast %mul3A_29 : i32 to vector<16xi32>
      %mul3A_31 = arith.muli %rem3A_26, %mul3A_30 : vector<16xi32>
      %add3A_32 = arith.addi %get3A_28, %mul3A_31 : vector<16xi32>
      %swap3A = arith.index_cast %add3A_21 : i32 to index
      %swap3A_33 = tpu.vector_load %arg5[%swap3A] {strides = array<i32>} : memref<13312xi32, #tpu.memory_space<vmem>>, vector<16xi32>,
      %swap3A_34 = vector.shape_cast %swap3A_33 : vector<16xi32> to vector<16xi32>
      %swap3A_35 = vector.shape_cast %add3A_32 : vector<16xi32> to vector<16xi32>
      tpu.vector_store %arg5[%swap3A], %swap3A_35 {strides = array<i32>} : memref<13312xi32, #tpu.memory_space<vmem>>, vector<16xi32>,
      %mul3A_36 = arith.constant 128 : i32
      %mul3A_37 = arith.muli %scan3A_16, %mul3A_36 : i32
      %add3A_38 = arith.constant 16 : i32
      %add3A_39 = arith.addi %mul3A_37, %add3A_38 : i32
      %add3A_40 = arith.addi %mul3A_2, %add3A_39 : i32
      %add3A_41 = vector.broadcast %add3A_40 : i32 to vector<16xi32>
      %add3A_42 = arith.addi %add3A_41, %iota3A : vector<16xi32>
      %rem3A_43 = arith.constant 26 : i32
      %rem3A_44 = vector.broadcast %rem3A_43 : i32 to vector<16xi32>
      %rem3A_45 = arith.remsi %add3A_42, %rem3A_44 : vector<16xi32>
      %get3A_46 = arith.index_cast %add3A_39 : i32 to index
      %get3A_47 = tpu.vector_load %arg5[%get3A_46] {strides = array<i32>} : memref<13312xi32, #tpu.memory_space<vmem>>, vector<16xi32>,
      %get3A_48 = vector.shape_cast %get3A_47 : vector<16xi32> to vector<16xi32>
      %mul3A_49 = arith.constant 100008 : i32
      %mul3A_50 = vector.broadcast %mul3A_49 : i32 to vector<16xi32>
      %mul3A_51 = arith.muli %rem3A_45, %mul3A_50 : vector<16xi32>
      %add3A_52 = arith.addi %get3A_48, %mul3A_51 : vector<16xi32>
      %swap3A_53 = arith.index_cast %add3A_39 : i32 to index
      %swap3A_54 = tpu.vector_load %arg5[%swap3A_53] {strides = array<i32>} : memref<13312xi32, #tpu.memory_space<vmem>>, vector<16xi32>,
      %swap3A_55 = vector.shape_cast %swap3A_54 : vector<16xi32> to vector<16xi32>
      %swap3A_56 = vector.shape_cast %add3A_52 : vector<16xi32> to vector<16xi32>
      tpu.vector_store %arg5[%swap3A_53], %swap3A_56 {strides = array<i32>} : memref<13312xi32, #tpu.memory_space<vmem>>, vector<16xi32>,
      %mul3A_57 = arith.constant 128 : i32
      %mul3A_58 = arith.muli %scan3A_16, %mul3A_57 : i32
      %add3A_59 = arith.constant 32 : i32
      %add3A_60 = arith.addi %mul3A_58, %add3A_59 : i32
      %add3A_61 = arith.addi %mul3A_2, %add3A_60 : i32
      %add3A_62 = vector.broadcast %add3A_61 : i32 to vector<16xi32>
      %add3A_63 = arith.addi %add3A_62, %iota3A : vector<16xi32>
      %rem3A_64 = arith.constant 26 : i32
      %rem3A_65 = vector.broadcast %rem3A_64 : i32 to vector<16xi32>
      %rem3A_66 = arith.remsi %add3A_63, %rem3A_65 : vector<16xi32>
      %get3A_67 = arith.index_cast %add3A_60 : i32 to index
      %get3A_68 = tpu.vector_load %arg5[%get3A_67] {strides = array<i32>} : memref<13312xi32, #tpu.memory_space<vmem>>, vector<16xi32>,
      %get3A_69 = vector.shape_cast %get3A_68 : vector<16xi32> to vector<16xi32>
      %mul3A_70 = arith.constant 100008 : i32
      %mul3A_71 = vector.broadcast %mul3A_70 : i32 to vector<16xi32>
      %mul3A_72 = arith.muli %rem3A_66, %mul3A_71 : vector<16xi32>
      %add3A_73 = arith.addi %get3A_69, %mul3A_72 : vector<16xi32>
      %swap3A_74 = arith.index_cast %add3A_60 : i32 to index
      %swap3A_75 = tpu.vector_load %arg5[%swap3A_74] {strides = array<i32>} : memref<13312xi32, #tpu.memory_space<vmem>>, vector<16xi32>,
      %swap3A_76 = vector.shape_cast %swap3A_75 : vector<16xi32> to vector<16xi32>
      %swap3A_77 = vector.shape_cast %add3A_73 : vector<16xi32> to vector<16xi32>
      tpu.vector_store %arg5[%swap3A_74], %swap3A_77 {strides = array<i32>} : memref<13312xi32, #tpu.memory_space<vmem>>, vector<16xi32>,
      %mul3A_78 = arith.constant 128 : i32
      %mul3A_79 = arith.muli %scan3A_16, %mul3A_78 : i32
      %add3A_80 = arith.constant 48 : i32
      %add3A_81 = arith.addi %mul3A_79, %add3A_80 : i32
      %add3A_82 = arith.addi %mul3A_2, %add3A_81 : i32
      %add3A_83 = vector.broadcast %add3A_82 : i32 to vector<16xi32>
      %add3A_84 = arith.addi %add3A_83, %iota3A : vector<16xi32>
      %rem3A_85 = arith.constant 26 : i32
      %rem3A_86 = vector.broadcast %rem3A_85 : i32 to vector<16xi32>
      %rem3A_87 = arith.remsi %add3A_84, %rem3A_86 : vector<16xi32>
      %get3A_88 = arith.index_cast %add3A_81 : i32 to index
      %get3A_89 = tpu.vector_load %arg5[%get3A_88] {strides = array<i32>} : memref<13312xi32, #tpu.memory_space<vmem>>, vector<16xi32>,
      %get3A_90 = vector.shape_cast %get3A_89 : vector<16xi32> to vector<16xi32>
      %mul3A_91 = arith.constant 100008 : i32
      %mul3A_92 = vector.broadcast %mul3A_91 : i32 to vector<16xi32>
      %mul3A_93 = arith.muli %rem3A_87, %mul3A_92 : vector<16xi32>
      %add3A_94 = arith.addi %get3A_90, %mul3A_93 : vector<16xi32>
      %swap3A_95 = arith.index_cast %add3A_81 : i32 to index
      %swap3A_96 = tpu.vector_load %arg5[%swap3A_95] {strides = array<i32>} : memref<13312xi32, #tpu.memory_space<vmem>>, vector<16xi32>,
      %swap3A_97 = vector.shape_cast %swap3A_96 : vector<16xi32> to vector<16xi32>
      %swap3A_98 = vector.shape_cast %add3A_94 : vector<16xi32> to vector<16xi32>
      tpu.vector_store %arg5[%swap3A_95], %swap3A_98 {strides = array<i32>} : memref<13312xi32, #tpu.memory_space<vmem>>, vector<16xi32>,
      %mul3A_99 = arith.constant 128 : i32
      %mul3A_100 = arith.muli %scan3A_16, %mul3A_99 : i32
      %add3A_101 = arith.constant 64 : i32
      %add3A_102 = arith.addi %mul3A_100, %add3A_101 : i32
      %add3A_103 = arith.addi %mul3A_2, %add3A_102 : i32
      %add3A_104 = vector.broadcast %add3A_103 : i32 to vector<16xi32>
      %add3A_105 = arith.addi %add3A_104, %iota3A : vector<16xi32>
      %rem3A_106 = arith.constant 26 : i32
      %rem3A_107 = vector.broadcast %rem3A_106 : i32 to vector<16xi32>
      %rem3A_108 = arith.remsi %add3A_105, %rem3A_107 : vector<16xi32>
      %get3A_109 = arith.index_cast %add3A_102 : i32 to index
      %get3A_110 = tpu.vector_load %arg5[%get3A_109] {strides = array<i32>} : memref<13312xi32, #tpu.memory_space<vmem>>, vector<16xi32>,
      %get3A_111 = vector.shape_cast %get3A_110 : vector<16xi32> to vector<16xi32>
      %mul3A_112 = arith.constant 100008 : i32
      %mul3A_113 = vector.broadcast %mul3A_112 : i32 to vector<16xi32>
      %mul3A_114 = arith.muli %rem3A_108, %mul3A_113 : vector<16xi32>
      %add3A_115 = arith.addi %get3A_111, %mul3A_114 : vector<16xi32>
      %swap3A_116 = arith.index_cast %add3A_102 : i32 to index
      %swap3A_117 = tpu.vector_load %arg5[%swap3A_116] {strides = array<i32>} : memref<13312xi32, #tpu.memory_space<vmem>>, vector<16xi32>,
      %swap3A_118 = vector.shape_cast %swap3A_117 : vector<16xi32> to vector<16xi32>
      %swap3A_119 = vector.shape_cast %add3A_115 : vector<16xi32> to vector<16xi32>
      tpu.vector_store %arg5[%swap3A_116], %swap3A_119 {strides = array<i32>} : memref<13312xi32, #tpu.memory_space<vmem>>, vector<16xi32>,
      %mul3A_120 = arith.constant 128 : i32
      %mul3A_121 = arith.muli %scan3A_16, %mul3A_120 : i32
      %add3A_122 = arith.constant 80 : i32
      %add3A_123 = arith.addi %mul3A_121, %add3A_122 : i32
      %add3A_124 = arith.addi %mul3A_2, %add3A_123 : i32
      %add3A_125 = vector.broadcast %add3A_124 : i32 to vector<16xi32>
      %add3A_126 = arith.addi %add3A_125, %iota3A : vector<16xi32>
      %rem3A_127 = arith.constant 26 : i32
      %rem3A_128 = vector.broadcast %rem3A_127 : i32 to vector<16xi32>
      %rem3A_129 = arith.remsi %add3A_126, %rem3A_128 : vector<16xi32>
      %get3A_130 = arith.index_cast %add3A_123 : i32 to index
      %get3A_131 = tpu.vector_load %arg5[%get3A_130] {strides = array<i32>} : memref<13312xi32, #tpu.memory_space<vmem>>, vector<16xi32>,
      %get3A_132 = vector.shape_cast %get3A_131 : vector<16xi32> to vector<16xi32>
      %mul3A_133 = arith.constant 100008 : i32
      %mul3A_134 = vector.broadcast %mul3A_133 : i32 to vector<16xi32>
      %mul3A_135 = arith.muli %rem3A_129, %mul3A_134 : vector<16xi32>
      %add3A_136 = arith.addi %get3A_132, %mul3A_135 : vector<16xi32>
      %swap3A_137 = arith.index_cast %add3A_123 : i32 to index
      %swap3A_138 = tpu.vector_load %arg5[%swap3A_137] {strides = array<i32>} : memref<13312xi32, #tpu.memory_space<vmem>>, vector<16xi32>,
      %swap3A_139 = vector.shape_cast %swap3A_138 : vector<16xi32> to vector<16xi32>
      %swap3A_140 = vector.shape_cast %add3A_136 : vector<16xi32> to vector<16xi32>
      tpu.vector_store %arg5[%swap3A_137], %swap3A_140 {strides = array<i32>} : memref<13312xi32, #tpu.memory_space<vmem>>, vector<16xi32>,
      %mul3A_141 = arith.constant 128 : i32
      %mul3A_142 = arith.muli %scan3A_16, %mul3A_141 : i32
      %add3A_143 = arith.constant 96 : i32
      %add3A_144 = arith.addi %mul3A_142, %add3A_143 : i32
      %add3A_145 = arith.addi %mul3A_2, %add3A_144 : i32
      %add3A_146 = vector.broadcast %add3A_145 : i32 to vector<16xi32>
      %add3A_147 = arith.addi %add3A_146, %iota3A : vector<16xi32>
      %rem3A_148 = arith.constant 26 : i32
      %rem3A_149 = vector.broadcast %rem3A_148 : i32 to vector<16xi32>
      %rem3A_150 = arith.remsi %add3A_147, %rem3A_149 : vector<16xi32>
      %get3A_151 = arith.index_cast %add3A_144 : i32 to index
      %get3A_152 = tpu.vector_load %arg5[%get3A_151] {strides = array<i32>} : memref<13312xi32, #tpu.memory_space<vmem>>, vector<16xi32>,
      %get3A_153 = vector.shape_cast %get3A_152 : vector<16xi32> to vector<16xi32>
      %mul3A_154 = arith.constant 100008 : i32
      %mul3A_155 = vector.broadcast %mul3A_154 : i32 to vector<16xi32>
      %mul3A_156 = arith.muli %rem3A_150, %mul3A_155 : vector<16xi32>
      %add3A_157 = arith.addi %get3A_153, %mul3A_156 : vector<16xi32>
      %swap3A_158 = arith.index_cast %add3A_144 : i32 to index
      %swap3A_159 = tpu.vector_load %arg5[%swap3A_158] {strides = array<i32>} : memref<13312xi32, #tpu.memory_space<vmem>>, vector<16xi32>,
      %swap3A_160 = vector.shape_cast %swap3A_159 : vector<16xi32> to vector<16xi32>
      %swap3A_161 = vector.shape_cast %add3A_157 : vector<16xi32> to vector<16xi32>
      tpu.vector_store %arg5[%swap3A_158], %swap3A_161 {strides = array<i32>} : memref<13312xi32, #tpu.memory_space<vmem>>, vector<16xi32>,
      %mul3A_162 = arith.constant 128 : i32
      %mul3A_163 = arith.muli %scan3A_16, %mul3A_162 : i32
      %add3A_164 = arith.constant 112 : i32
      %add3A_165 = arith.addi %mul3A_163, %add3A_164 : i32
      %add3A_166 = arith.addi %mul3A_2, %add3A_165 : i32
      %add3A_167 = vector.broadcast %add3A_166 : i32 to vector<16xi32>
      %add3A_168 = arith.addi %add3A_167, %iota3A : vector<16xi32>
      %rem3A_169 = arith.constant 26 : i32
      %rem3A_170 = vector.broadcast %rem3A_169 : i32 to vector<16xi32>
      %rem3A_171 = arith.remsi %add3A_168, %rem3A_170 : vector<16xi32>
      %get3A_172 = arith.index_cast %add3A_165 : i32 to index
      %get3A_173 = tpu.vector_load %arg5[%get3A_172] {strides = array<i32>} : memref<13312xi32, #tpu.memory_space<vmem>>, vector<16xi32>,
      %get3A_174 = vector.shape_cast %get3A_173 : vector<16xi32> to vector<16xi32>
      %mul3A_175 = arith.constant 100008 : i32
      %mul3A_176 = vector.broadcast %mul3A_175 : i32 to vector<16xi32>
      %mul3A_177 = arith.muli %rem3A_171, %mul3A_176 : vector<16xi32>
      %add3A_178 = arith.addi %get3A_174, %mul3A_177 : vector<16xi32>
      %swap3A_179 = arith.index_cast %add3A_165 : i32 to index
      %swap3A_180 = tpu.vector_load %arg5[%swap3A_179] {strides = array<i32>} : memref<13312xi32, #tpu.memory_space<vmem>>, vector<16xi32>,
      %swap3A_181 = vector.shape_cast %swap3A_180 : vector<16xi32> to vector<16xi32>
      %swap3A_182 = vector.shape_cast %add3A_178 : vector<16xi32> to vector<16xi32>
      tpu.vector_store %arg5[%swap3A_179], %swap3A_182 {strides = array<i32>} : memref<13312xi32, #tpu.memory_space<vmem>>, vector<16xi32>,
      %scan3A_183 = arith.constant 0 : i32
      scf.yield %scan3A_183 : i32
    }
    %scan3A_8 = arith.constant 104 : i32
    %scan3A_9 = arith.constant 0 : i32
    %scan3A_10 = arith.constant 0 : i32
    %scan3A_11 = arith.constant 16 : i32
    %scan3A_12 = arith.addi %scan3A_10, %scan3A_11 : i32
    %scan3A_13 = arith.constant 1 : i32
    %scan3A_14 = scf.for %scan3A_16 = %scan3A_10 to %scan3A_12 step %scan3A_13 iter_args(%scan3A_17 = %scan3A_9) -> (i32)  : i32 {
      %mul3A_18 = arith.constant 832 : i32
      %mul3A_19 = arith.muli %scan3A_16, %mul3A_18 : i32
      %dma_start3A = tpu.memref_slice %arg5[%mul3A_19] : memref<13312xi32, #tpu.memory_space<vmem>> -> memref<832xi32, #tpu.memory_space<vmem>>
      %dma_start3A_20 = arith.constant 0 : i32
      %dma_start3A_21 = arith.constant 0 : i32
      %dma_start3A_22 = tpu.memref_slice %arg3[%dma_start3A_20, %dma_start3A_21] : memref<2600208x128xf32, #tpu.memory_space<hbm>> -> memref<2600208x128xf32, #tpu.memory_space<hbm>>
      tpu.enqueue_indirect_dma source(%dma_start3A_22 : memref<2600208x128xf32, #tpu.memory_space<hbm>>) target(%arg6 : memref<832x128xf32, #tpu.memory_space<vmem>>) offsets(%dma_start3A : memref<832xi32, #tpu.memory_space<vmem>>) semaphore(%arg7 : memref<!tpu.dma_semaphore, #tpu.memory_space<semaphore_mem>>)
      %dma_wait3A = tpu.memref_slice %arg5[%mul3A_19] : memref<13312xi32, #tpu.memory_space<vmem>> -> memref<832xi32, #tpu.memory_space<vmem>>
      %dma_wait3A_23 = arith.constant 0 : i32
      %dma_wait3A_24 = arith.constant 0 : i32
      %dma_wait3A_25 = tpu.memref_slice %arg3[%dma_wait3A_23, %dma_wait3A_24] : memref<2600208x128xf32, #tpu.memory_space<hbm>> -> memref<2600208x128xf32, #tpu.memory_space<hbm>>
      tpu.wait_indirect_dma semaphore(%arg7 : memref<!tpu.dma_semaphore, #tpu.memory_space<semaphore_mem>>) src(%dma_wait3A_25 : memref<2600208x128xf32, #tpu.memory_space<hbm>>) dst(%arg6 : memref<832x128xf32, #tpu.memory_space<vmem>>)
      %add3A_26 = arith.addi %mul3A_2, %mul3A_19 : i32
      "tpu.region"() ({
        %run_scoped3A = tpu.sem_alloc : memref<!tpu.dma_semaphore, #tpu.memory_space<semaphore_mem>>
        %dma_start3A_28 = arith.constant 0 : i32
        %dma_start3A_29 = arith.constant 0 : i32
        %dma_start3A_30 = tpu.memref_slice %arg6[%dma_start3A_28, %dma_start3A_29] : memref<832x128xf32, #tpu.memory_space<vmem>> -> memref<832x32xf32, #tpu.memory_space<vmem>>
        %dma_start3A_31 = arith.constant 0 : i32
        %dma_start3A_32 = tpu.memref_slice %arg4[%add3A_26, %dma_start3A_31] : memref<425984x32xf32, #tpu.memory_space<hbm>> -> memref<832x32xf32, #tpu.memory_space<hbm>>
        %dma_start3A_33 = arith.constant 0 : i32
        %dma_start3A_34 = tpu.memref_slice %arg4[%add3A_26, %dma_start3A_33] : memref<425984x32xf32, #tpu.memory_space<hbm>> -> memref<832x32xf32, #tpu.memory_space<hbm>>
        %dma_start3A_35 = arith.constant 0 : i32
        %dma_start3A_36 = arith.constant 0 : i32
        %dma_start3A_37 = tpu.memref_slice %arg6[%dma_start3A_35, %dma_start3A_36] : memref<832x128xf32, #tpu.memory_space<vmem>> -> memref<832x32xf32, #tpu.memory_space<vmem>>
        tpu.enqueue_dma source(%dma_start3A_37 : memref<832x32xf32, #tpu.memory_space<vmem>>) target(%dma_start3A_34 : memref<832x32xf32, #tpu.memory_space<hbm>>) target_semaphore(%run_scoped3A : memref<!tpu.dma_semaphore, #tpu.memory_space<semaphore_mem>>)
        %dma_wait3A_38 = arith.constant 0 : i32
        %dma_wait3A_39 = arith.constant 0 : i32
        %dma_wait3A_40 = tpu.memref_slice %arg6[%dma_wait3A_38, %dma_wait3A_39] : memref<832x128xf32, #tpu.memory_space<vmem>> -> memref<832x32xf32, #tpu.memory_space<vmem>>
        %dma_wait3A_41 = arith.constant 0 : i32
        %dma_wait3A_42 = tpu.memref_slice %arg4[%add3A_26, %dma_wait3A_41] : memref<425984x32xf32, #tpu.memory_space<hbm>> -> memref<832x32xf32, #tpu.memory_space<hbm>>
        %dma_wait3A_43 = arith.constant 0 : i32
        %dma_wait3A_44 = tpu.memref_slice %arg4[%add3A_26, %dma_wait3A_43] : memref<425984x32xf32, #tpu.memory_space<hbm>> -> memref<832x32xf32, #tpu.memory_space<hbm>>
        %dma_wait3A_45 = arith.constant 0 : i32
        %dma_wait3A_46 = arith.constant 0 : i32
        %dma_wait3A_47 = tpu.memref_slice %arg6[%dma_wait3A_45, %dma_wait3A_46] : memref<832x128xf32, #tpu.memory_space<vmem>> -> memref<832x32xf32, #tpu.memory_space<vmem>>
        tpu.wait_dma2 semaphore(%run_scoped3A : memref<!tpu.dma_semaphore, #tpu.memory_space<semaphore_mem>>) src(%dma_wait3A_47 : memref<832x32xf32, #tpu.memory_space<vmem>>) dst(%dma_wait3A_44 : memref<832x32xf32, #tpu.memory_space<hbm>>)
        tpu.yield
      }) : () -> ()
      %scan3A_27 = arith.constant 0 : i32
      scf.yield %scan3A_27 : i32
    }
    %scan3A_15 = arith.constant 16 : i32
    return
  }
}

</mosaic_0001>

<sc_bundles>
// kernel: kernel.3.cloned.1.call-start
scs
__scs_entry_jumppad:
0x0: {  	(pc) =	sbr.rel $0x88, $3  }
0x1: {  	(tag) =	ssettag $0x0;
	lr =	simm.s32 $0x1  }
0x2: {  	[smem:$0x3F9F] =	sst lr;
	_ =	strace $0xD0000000  }
0x3: {  	_ = 	snop  }
0x4: {  	_ = 	snop  }
0x5: {  	_ = 	snop  }
0x6: {  	_ = 	snop  }
0x7: {  	_ = 	snop  }
__scs_overlays_trampoline_lowered:
0x8: {  	[smem:$0x3FAE] =	sst s0  }
0x9: {  	[smem:$0x3FAF] =	sst s1  }
0xa: {  	[smem:$0x3FB0] =	sst s2  }
0xb: {  	[smem:$0x3FB1] =	sst s3  }
0xc: {  	[smem:$0x3FB2] =	sst s4  }
0xd: {  	[smem:$0x3FB3] =	sst s5  }
0xe: {  	[smem:$0x3FB4] =	sst s6  }
0xf: {  	[smem:$0x3FB5] =	sst s7  }
0x10: {  	[smem:$0x3FB6] =	sst s8  }
0x11: {  	[smem:$0x3FB7] =	sst s9;
	s0 =	simm.s32 @!p0 $0x0  }
0x12: {  	s1 =	sld [smem:$0x3F9D];
	s0 =	simm.s32 @p0 $0x1  }
0x13: {  	[smem:$0x3FB8] =	sst s0;
	s0 =	simm.s32 @!p1 $0x0  }
0x14: {  	s2 =	sld [smem:$0x3F9C];
	s0 =	simm.s32 @p1 $0x1  }
0x15: {  	[smem:$0x3FB9] =	sst s0;
	s0 =	simm.s32 @!p2 $0x0  }
0x16: {  	s3 =	sld [smem:$0x3FDB];
	s0 =	simm.s32 @p2 $0x1  }
0x17: {  	s4 =	simm.s32 $0x1BF5;
	[smem:$0x3FBB] =	sst s0  }
0x18: {  	s0 =	sld [smem:$0x3F9E];
	_ =	swait.ge [sflag:s4], $0x0  }
0x19: {  	s7 =	sld [smem:$0x3F9F]  }
0x1a: {  	s8 =	sadd.s32 $0xFFFFE003, lr  }
0x1b: {  	s9 =	sadd.s32 $0xFFFFFEF7, lr;
	s5 =	simm.s32 $0xFFFFFFFF;
	p2 =	slt.u32 s8, $0xFFFFF086  }
0x1c: {  	p1 =	slt.u32 s9, $0xF7A;
	s5 =	simm.s32 @!p2 $0x0  }
0x1d: {  	s5 =	simm.s32 @p1 $0x1;
	p0 =	seq.s32 s7, s2  }
0x1e: {  	s7 =	smul.u32 @!p0 $0xF7A, s2;
	p2 =	seq.s32 @!p0 s5, $0x0  }
0x1f: {  	s9 =	smul.u32 $0xF7A, s1;
	s8 =	simm.s32 @!p0 $0x1BF5;
	p2 =	por !p2, p0  }
0x20: {  	[sflag:s8] =	ssyncset.s32 @!p0 $0xFFFFF086;
	s6 =	sadd.s32 @!p0 s3, s7;
	s7 =	simm.s32 @!p0 $0x108  }
0x21: {  	s3 =	sadd.s32 s3, s9;
	s6 =	sadd.s32 @!p0 $0x88, s6;
	s7 =	simm.s32 @p2 $0x1082  }
0x22: {  	[simem:s7], [sflag:s8] =	dma.local @!p0 [hbm:s6], $0xF7A  }
0x23: {  	s9 =	sor.u32 $0xD0000000, s2;
	s6 =	simm.s32 $0x108;
	_ =	swait.ge @!p0 [sflag:s8], $0x0  }
0x24: {  	s3 =	sadd.s32 $0x88, s3;
	s6 =	simm.s32 @!p1 $0x1082;
	[sflag:s4] =	ssyncset.s32 $0xFFFFF086  }
0x25: {  	[simem:s6], [sflag:s4] =	dma.local [hbm:s3], $0xF7A  }
0x26: {  	[smem:$0x3F9F] =	sst s1;
	(tag) =	ssettag s2;
	_ =	strace s9  }
0x27: {  	s1 =	sld [smem:$0x3FAF]  }
0x28: {  	s2 =	sld [smem:$0x3FB0]  }
0x29: {  	s4 =	sld [smem:$0x3FB2]  }
0x2a: {  	p0 =	seq.s32 s5, $0x0;
	s5 =	sld [smem:$0x3FB3]  }
0x2b: {  	s6 =	sld [smem:$0x3FB4]  }
0x2c: {  	s7 =	sld [smem:$0x3FB5]  }
0x2d: {  	s3 =	simm.s32 $0x108;
	s8 =	sld [smem:$0x3FB6]  }
0x2e: {  	s3 =	simm.s32 @!p0 $0x1082;
	s9 =	sld [smem:$0x3FB7]  }
0x2f: {  	lr =	sadd.s32 s0, s3;
	s0 =	sld [smem:$0x3FAE]  }
0x30: {  	s3 =	sld [smem:$0x3FB1]  }
0x31: {  	[smem:$0x3FBA] =	sst s10  }
0x32: {  	s10 =	sld [smem:$0x3FB8];
	_ =	sdelay $0x3  }
0x33: {  	p0 =	seq.s32 s10, $0x1;
	s10 =	sld [smem:$0x3FBA];
	_ =	sdelay $0x3  }
0x34: {  	[smem:$0x3FBA] =	sst s10  }
0x35: {  	s10 =	sld [smem:$0x3FB9];
	_ =	sdelay $0x3  }
0x36: {  	p1 =	seq.s32 s10, $0x1;
	s10 =	sld [smem:$0x3FBA];
	_ =	sdelay $0x3  }
0x37: {  	[smem:$0x3FBA] =	sst s10  }
0x38: {  	s10 =	sld [smem:$0x3FBB]  }
0x39: {  	_ = 	snop;
	(pc) =	sbr.ind lr, $3  }
0x3a: {  	_ = 	snop  }
0x3b: {  	_ = 	snop  }
0x3c: {  	p2 =	seq.s32 s10, $0x1;
	s10 =	sld [smem:$0x3FBA]  }
0x3d: {  	_ =	shalt  }
0x3e: {  	_ =	shalt  }
0x3f: {  	_ =	shalt  }
0x40: {  	_ =	shalt  }
0x41: {  	_ =	shalt  }
0x42: {  	_ =	shalt  }
0x43: {  	_ =	shalt  }
0x44: {  	_ =	shalt  }
0x45: {  	_ =	shalt  }
0x46: {  	_ =	shalt  }
0x47: {  	_ =	shalt  }
0x48: {  	_ =	shalt  }
0x49: {  	_ =	shalt  }
0x4a: {  	_ =	shalt  }
0x4b: {  	_ =	shalt  }
0x4c: {  	_ =	shalt  }
0x4d: {  	_ =	shalt  }
0x4e: {  	_ =	shalt  }
0x4f: {  	_ =	shalt  }
0x50: {  	_ =	shalt  }
0x51: {  	_ =	shalt  }
0x52: {  	_ =	shalt  }
0x53: {  	_ =	shalt  }
0x54: {  	_ =	shalt  }
0x55: {  	_ =	shalt  }
0x56: {  	_ =	shalt  }
0x57: {  	_ =	shalt  }
0x58: {  	_ =	shalt  }
0x59: {  	_ =	shalt  }
0x5a: {  	_ =	shalt  }
0x5b: {  	_ =	shalt  }
0x5c: {  	_ =	shalt  }
0x5d: {  	_ =	shalt  }
0x5e: {  	_ =	shalt  }
0x5f: {  	_ =	shalt  }
0x60: {  	_ =	shalt  }
0x61: {  	_ =	shalt  }
0x62: {  	_ =	shalt  }
0x63: {  	_ =	shalt  }
0x64: {  	_ =	shalt  }
0x65: {  	_ =	shalt  }
0x66: {  	_ =	shalt  }
0x67: {  	_ =	shalt  }
0x68: {  	_ =	shalt  }
0x69: {  	_ =	shalt  }
0x6a: {  	_ =	shalt  }
0x6b: {  	_ =	shalt  }
0x6c: {  	_ =	shalt  }
0x6d: {  	_ =	shalt  }
0x6e: {  	_ =	shalt  }
0x6f: {  	_ =	shalt  }
0x70: {  	_ =	shalt  }
0x71: {  	_ =	shalt  }
0x72: {  	_ =	shalt  }
0x73: {  	_ =	shalt  }
0x74: {  	_ =	shalt  }
0x75: {  	_ =	shalt  }
0x76: {  	_ =	shalt  }
0x77: {  	_ =	shalt  }
0x78: {  	_ =	shalt  }
0x79: {  	_ =	shalt  }
0x7a: {  	_ =	shalt  }
0x7b: {  	_ =	shalt  }
0x7c: {  	_ =	shalt  }
0x7d: {  	_ =	shalt  }
0x7e: {  	_ =	shalt  }
0x7f: {  	_ =	shalt  }
0x80: {  	_ =	shalt  }
0x81: {  	_ =	shalt  }
0x82: {  	_ =	shalt  }
0x83: {  	_ =	shalt  }
0x84: {  	_ =	shalt  }
0x85: {  	_ =	shalt  }
0x86: {  	_ =	shalt  }
0x87: {  	_ =	shalt  }
.Lfunc_end0:
.L_simem_size_0:
called_computation.2_lowered:
.L_overlay_start_0:
0x88: {  	s2 =	sld [smem:$0x3FD9]  }
0x89: {  	s3 =	sld [smem:$0x3FFE];
	_ =	sdelay $0x1  }
0x8a: {  	s1 =	srdreg.scid  }
0x8b: {  	s0 =	sand.u32 $0x1, s1  }
0x8c: {  	s17 =	sshll.u32 s0, $0xA;
	s2 =	sadd.s32 s3, s2  }
0x8d: {  	s2 =	sadd.s32 s2, s17  }
0x8e: {  	[smem:$0x3FC6] =	sst s2  }
0x8f: {  	_ = 	snop  }
0x90: {  	s2 =	sld [smem:$0x3FD0];
	(tm) =	ssettm $0x1  }
0x91: {  	s18 =	sld [smem:$0x3FFB];
	_ =	sdelay $0x3  }
0x92: {  	_ =	strace s18  }
0x93: {  	s3 =	sld [smem:$0x3FFC];
	_ =	sdelay $0x3  }
0x94: {  	_ =	strace s3  }
0x95: {  	s3 =	sld [smem:$0x3FFD];
	_ =	sdelay $0x3  }
0x96: {  	_ =	strace s3  }
0x97: {  	_ =	strace $0x8FFFFFFF  }
0x98: {  	s19 =	sld [smem:$0x3FDB];
	_ =	sdelay $0x1  }
0x99: {  	s4 =	simm.s32 $_scs_section_size  }
0x9a: {  	s5 =	simm.s32 $_size__tile_overlayer_lowered;
	s6 =	simm.s32 $_tile_overlayer_lowered  }
0x9b: {  	s22 =	simm.s32 $0x1BFF;
	s21 =	sshll.u32 s6, $0x1;
	s3 =	sadd.s32 s4, s19  }
0x9c: {  	s7 =	simm.s32 $0x0;
	s20 =	sshll.u32 s5, $0x1;
	s5 =	sadd.s32 s21, s3  }
0x9d: {  	[timem:s7], [sflag:s22] =	dma.local [hbm:s5], s20  }
0x9e: {  	_ =	swait.ge [sflag:s22], s20  }
0x9f: {  	s4 =	ssub.s32 $0x0, s20;
	[sflag:s22] =	ssyncset.done $0x0  }
0xa0: {  	[sflag:s22] =	ssyncadd.s32 s4;
	_ =	sdelay $0x1  }
0xa1: {  	s23 =	simm.s32 $0x1B8B  }
0xa2: {  	_ =	swait.ge [sflag:s23], $0x1  }
0xa3: {  	[sflag:s23] =	ssyncset.done $0x0  }
0xa4: {  	s25 =	simm.s32 $0x1B8E;
	s24 =	sld [smem:$0x3FFE];
	[sflag:s23] =	ssyncadd.s32 $0xFFFFFFFF  }
0xa5: {  	s26 =	simm.s32 $execute0_lowered;
	[smem:$0x3FD2] =	sst s25  }
0xa6: {  	s5 =	sshll.u32 s26, $0x1;
	_ =	strace $0x80000049;
	[dreg:$0x1] =	wrdreg $0xFFFFFFFF  }
0xa7: {  	s28 =	simm.s32 $_size_execute0_lowered;
	s3 =	sadd.s32 s3, s5;
	[dreg:$0x0] =	wrdreg $0x0  }
0xa8: {  	s5 =	sshll.u32 s28, $0x1;
	[dreg:$0x2] =	wrdreg s3  }
0xa9: {  	[dreg:$0x3] =	wrdreg s5  }
0xaa: {  	[dreg:$0x4] =	wrdreg $0xC0  }
0xab: {  	_ =	task [dreg:s7], $0x5FFFF  }
0xac: {  	[dreg:$0x1] =	wrdreg $0xFFFFFFFF  }
0xad: {  	[dreg:$0x0] =	wrdreg $0x60  }
0xae: {  	[dreg:$0x2] =	wrdreg s24  }
0xaf: {  	[dreg:$0x3] =	wrdreg s2  }
0xb0: {  	[dreg:$0x4] =	wrdreg $0x9  }
0xb1: {  	_ =	task.clear_ibuf [dreg:s7], $0x5FFFF;
	_ =	strace $0x90000049  }
0xb2: {  	s29 =	simm.s32 $0x9;
	_ =	strace $0x8000004B  }
0xb3: {  	_ =	swait.ge [sflag:s29], $0x1  }
0xb4: {  	[sflag:s29] =	ssyncadd.s32 $0xFFFFFFFF  }
0xb5: {  	_ =	strace $0x9000004B  }
0xb6: {  	_ =	sfence  }
0xb7: {  	s30 =	sld [smem:$0x0];
	_ =	sdelay $0x2  }
0xb8: {  	s31 =	sshll.u32 s1, $0xD;
	s1 =	sshrl.u32 s1, $0x2  }
0xb9: {  	s3 =	sand.u32 $0x4000, s31;
	s1 =	sadd.s32 s1, s30  }
0xba: {  	s0 =	sor.u32 s3, s0;
	s1 =	sshll.u32 s1, $0x11  }
0xbb: {  	s0 =	sor.u32 s1, s0  }
0xbc: {  	s0 =	sadd.s32 $0x8F2B, s0  }
0xbd: {  	[sflag:s0] =	ssyncadd.remote.s32 $0x1  }
0xbe: {  	_ =	sfence.sel $0xFFFF  }
0xbf: {  	[dreg:$0x0] =	wrdreg $0xFFFFFFFF;
	(pc) =	sbr.abs _section_cstart, $3  }
0xc0: {  	[dreg:$0x1] =	wrdreg $0xFFFFFFFF  }
0xc1: {  	_ =	task.clear_ibuf [dreg:s7], $0x2FFFF;
	_ =	strace $0x9FFFFFFF  }
0xc2: {  	(tm) =	ssettm $0x7FFFFFFF  }
0xc3: {  	_ =	shalt  }
tec
execute0_lowered:
.L_overlay_start_1:
0x0: {  	(tag) =	ssettag $0x1  }
0x1: {  	s5 =	rddreg [dreg:$0x0]  }
0x2: {  	s1 =	srdreg.scid;
	s0 =	stileid.u32  }
0x3: {  	s2 =	rddreg [dreg:$0x1];
	s6 =	sand.u32 $0x1, s1;
	s4 =	sshll.u32 s0, $0x1  }
0x4: {  	s3 =	simm.s32 $0x0;
	s1 =	rddreg [dreg:$0x2];
	s4 =	sor.u32 s6, s4  }
0x5: {  	s12 =	simm.s32 $0x0;
	[smem:$0x7FF] =	sst s3;
	s4 =	smul.u32 $0x3400, s4  }
0x6: {  	s9 =	smul.u32 $0x6800, s0;
	_ =	strace $0x8000004A;
	s8 =	ssub.s32 $0x2, s6  }
0x7: {  	s11 =	smul.u32 $0x3400, s6;
	s10 =	sshrl.u32 s8, $0x1;
	s7 =	sshrl.u32 s4, $0x3  }
0x8: {  	s8 =	ssub.s32 s8, s10;
	s10 =	simm.s32 $0x340;
	s7 =	sadd.s32 s7, s5  }
0x9: {  	s5 =	sadd.s32 $0x27BB000, s5;
	s6 =	sadd.s32 $0x27AE000, s7;
	s7 =	smax.u32 s8, $0x1  }
0xa: {  	v0 =	vlaneseq.u32;
	s8 =	sadd.s32 s11, s9;
	s9 =	simm.s32 $0x2;
	s11 =	simm.s32 $0x1  }
.LBB2_1:
0xb: {  	[tilespmem:s3], [sflag:$0x2] =	stream.linear.gather [hbm4b:s6+s3], $0x3400, $0x38;
	[tilespmem:$0x1D400] =	vst v63  }
0xc: {  	s13 =	sadd.s32 $0x0, s8  }
0xd: {  	v1 =	vor.u32 s13, v0;
	s14 =	sadd.s32 $0x10, s13  }
0xe: {  	s20 =	sadd.s32 $0x20, s13;
	v2 =	vmulhi.u32 $0x4EC4EC4F, v1;
	v3 =	vor.u32 s14, v0  }
0xf: {  	s21 =	sadd.s32 $0x40, s13;
	v5 =	vor.u32 s20, v0;
	v4 =	vmulhi.u32 $0x4EC4EC4F, v3  }
0x10: {  	s22 =	sadd.s32 $0x50, s13;
	v7 =	vor.u32 s21, v0;
	v6 =	vmulhi.u32 $0x4EC4EC4F, v5  }
0x11: {  	s23 =	sadd.s32 $0x60, s13;
	v9 =	vor.u32 s22, v0;
	v8 =	vmulhi.u32 $0x4EC4EC4F, v7  }
0x12: {  	s24 =	sadd.s32 $0x70, s13;
	v11 =	vor.u32 s23, v0;
	v10 =	vmulhi.u32 $0x4EC4EC4F, v9  }
0x13: {  	_ =	swait.ge [sflag:s9], $0x3400;
	s15 =	sadd.s32 $0x30, s13;
	v13 =	vor.u32 s24, v0;
	v12 =	vmulhi.u32 $0x4EC4EC4F, v11;
	v2 =	vshrl.u32 v2, $0x3  }
0x14: {  	[sflag:s9] =	ssyncset.done $0x0;
	v14 =	vor.u32 s15, v0;
	v15 =	vmulhi.u32 $0x4EC4EC4F, v13;
	v2 =	vmul.u32 $0x1A, v2  }
0x15: {  	s13 =	simm.s32 $0x40;
	[sflag:s9] =	ssyncadd.s32 $0xFFFFCC00;
	v4 =	vshrl.u32 v4, $0x3;
	v6 =	vshrl.u32 v6, $0x3;
	v8 =	vshrl.u32 v8, $0x3  }
0x16: {  	v16 =	vld [tilespmem:s13+$0xFFFFFFC0];
	v10 =	vshrl.u32 v10, $0x3;
	v12 =	vshrl.u32 v12, $0x3;
	v15 =	vshrl.u32 v15, $0x3  }
0x17: {  	v17 =	vld [tilespmem:s13+$0xFFFFFFD0];
	v4 =	vmul.u32 $0x1A, v4;
	v6 =	vmul.u32 $0x1A, v6;
	v1 =	vsub.s32 v1, v2  }
0x18: {  	v18 =	vld [tilespmem:s13+$0x0];
	v8 =	vmul.u32 $0x1A, v8;
	v10 =	vmul.u32 $0x1A, v10;
	v1 =	vmul.u32 $0x186A8, v1  }
0x19: {  	v2 =	vld [tilespmem:s13+$0xFFFFFFE0];
	v3 =	vsub.s32 v3, v4;
	v4 =	vmul.u32 $0x1A, v12;
	v5 =	vsub.s32 v5, v6  }
0x1a: {  	v7 =	vsub.s32 v7, v8;
	v8 =	vmul.u32 $0x1A, v15;
	v3 =	vmul.u32 $0x186A8, v3  }
0x1b: {  	v12 =	vld [tilespmem:s13+$0x20];
	v9 =	vsub.s32 v9, v10;
	v5 =	vmul.u32 $0x186A8, v5;
	v7 =	vmul.u32 $0x186A8, v7  }
0x1c: {  	s25 =	sadd.s32 $0x80, s8;
	v6 =	vld [tilespmem:s13+$0x10];
	v1 =	vadd.s32 v1, v16;
	v4 =	vsub.s32 v11, v4;
	v3 =	vadd.s32 v3, v17  }
0x1d: {  	s28 =	sadd.s32 $0x20, s25;
	v11 =	vadd.s32 v7, v18;
	v7 =	vmul.u32 $0x186A8, v4;
	v4 =	vsub.s32 v13, v8  }
0x1e: {  	s29 =	sadd.s32 $0x40, s25;
	v13 =	vmulhi.u32 $0x4EC4EC4F, v14;
	v8 =	vor.u32 s28, v0;
	v5 =	vadd.s32 v5, v2  }
0x1f: {  	s26 =	sadd.s32 $0x10, s25;
	v2 =	vmul.u32 $0x186A8, v9;
	v20 =	vmulhi.u32 $0x4EC4EC4F, v8;
	v9 =	vor.u32 s29, v0  }
0x20: {  	s14 =	sadd.s32 $0x70, s25;
	v10 =	vld [tilespmem:s13+$0x30];
	[tilespmem:s13+$0xFFFFFFC0] =	vst v1;
	v16 =	vadd.s32 v7, v12;
	v7 =	vor.u32 s26, v0;
	v1 =	vshrl.u32 v13, $0x3  }
0x21: {  	v13 =	vmulhi.u32 $0x4EC4EC4F, v9;
	[tilespmem:s13+$0xFFFFFFE0] =	vst v5;
	v5 =	vor.u32 s14, v0;
	v15 =	vadd.s32 v2, v6  }
0x22: {  	s31 =	sadd.s32 $0x60, s25;
	v2 =	vmul.u32 $0x186A8, v4;
	v4 =	vor.u32 s25, v0;
	v17 =	vmulhi.u32 $0x4EC4EC4F, v7  }
0x23: {  	s16 =	sadd.s32 $0x30, s25;
	[tilespmem:s13+$0xFFFFFFD0] =	vst v3;
	v3 =	vmul.u32 $0x1A, v1;
	v6 =	vor.u32 s31, v0;
	v12 =	vmulhi.u32 $0x4EC4EC4F, v4  }
0x24: {  	s30 =	sadd.s32 $0x50, s25;
	v1 =	vor.u32 s16, v0;
	v22 =	vmulhi.u32 $0x4EC4EC4F, v6;
	[tilespmem:s13+$0x10] =	vst v15;
	v15 =	vshrl.u32 v13, $0x3  }
0x25: {  	v19 =	vadd.s32 v2, v10;
	v10 =	vor.u32 s30, v0;
	v3 =	vsub.s32 v14, v3  }
0x26: {  	[tilespmem:s13+$0x0] =	vst v11;
	v18 =	vshrl.u32 v17, $0x3;
	v17 =	vshrl.u32 v20, $0x3;
	v21 =	vmulhi.u32 $0x4EC4EC4F, v10  }
0x27: {  	s14 =	simm.s32 $0xC0;
	[tilespmem:s13+$0x20] =	vst v16;
	v2 =	vld [tilespmem:s13+$0xFFFFFFF0];
	v11 =	vshrl.u32 v12, $0x3;
	v12 =	vmulhi.u32 $0x4EC4EC4F, v5;
	v3 =	vmul.u32 $0x186A8, v3  }
0x28: {  	s15 =	simm.s32 $0x100;
	[tilespmem:s13+$0x30] =	vst v19;
	v13 =	vshrl.u32 v22, $0x3;
	v14 =	vmul.u32 $0x1A, v11;
	v11 =	vld [tilespmem:s14+$0xFFFFFFC0];
	v16 =	vshrl.u32 v21, $0x3  }
.LBB2_2:
0x29: {  	p0 =	sne.s32 s15, $0x3380;
	v18 =	vmul.u32 $0x1A, v18;
	v19 =	vld [tilespmem:s14+$0xFFFFFFD0];
	v17 =	vmul.u32 $0x1A, v17;
	v12 =	vshrl.u32 v12, $0x3  }
0x2a: {  	v4 =	vsub.s32 v4, v14;
	v15 =	vmul.u32 $0x1A, v15;
	v16 =	vmul.u32 $0x1A, v16;
	v14 =	vld [tilespmem:s14+$0xFFFFFFE0]  }
0x2b: {  	v13 =	vmul.u32 $0x1A, v13;
	v4 =	vmul.u32 $0x186A8, v4;
	v7 =	vsub.s32 v7, v18;
	v18 =	vld [tilespmem:s14+$0x0]  }
0x2c: {  	v12 =	vmul.u32 $0x1A, v12;
	v8 =	vsub.s32 v8, v17;
	v7 =	vmul.u32 $0x186A8, v7;
	v17 =	vld [tilespmem:s14+$0x10]  }
0x2d: {  	v9 =	vsub.s32 v9, v15;
	v8 =	vmul.u32 $0x186A8, v8;
	v4 =	vadd.s32 v4, v11;
	v11 =	vld [tilespmem:s14+$0x20]  }
0x2e: {  	[tilespmem:s14+$0xFFFFFFC0] =	vst v4;
	v4 =	vadd.s32 v7, v19;
	v7 =	vmul.u32 $0x186A8, v9;
	v9 =	vsub.s32 v10, v16;
	v10 =	vld [tilespmem:s14+$0x30]  }
0x2f: {  	v6 =	vsub.s32 v6, v13;
	[tilespmem:s14+$0xFFFFFFD0] =	vst v4;
	v4 =	vadd.s32 v8, v14;
	v14 =	vld [tilespmem:s14+$0xFFFFFFF0];
	v8 =	vmul.u32 $0x186A8, v9  }
0x30: {  	v6 =	vmul.u32 $0x186A8, v6;
	v5 =	vsub.s32 v5, v12;
	[tilespmem:s14+$0xFFFFFFE0] =	vst v4;
	v4 =	vadd.s32 v7, v18  }
0x31: {  	s16 =	sadd.s32 s15, s8;
	v12 =	vmulhi.u32 $0x4EC4EC4F, v1;
	v5 =	vmul.u32 $0x186A8, v5;
	[tilespmem:s14+$0x0] =	vst v4;
	v7 =	vadd.s32 v8, v17  }
0x32: {  	v3 =	vadd.s32 v3, v2;
	s17 =	sadd.s32 $0x10, s16;
	s18 =	sadd.s32 $0x30, s16;
	v4 =	vor.u32 s16, v0;
	[tilespmem:s14+$0x10] =	vst v7;
	v6 =	vadd.s32 v6, v11  }
0x33: {  	v11 =	vmulhi.u32 $0x4EC4EC4F, v4;
	v7 =	vor.u32 s17, v0;
	s17 =	sadd.s32 $0x20, s16;
	[tilespmem:s14+$0x20] =	vst v6;
	v5 =	vadd.s32 v5, v10  }
0x34: {  	v15 =	vor.u32 s18, v0;
	v13 =	vmulhi.u32 $0x4EC4EC4F, v7;
	v8 =	vor.u32 s17, v0;
	s17 =	sadd.s32 $0x40, s16;
	[tilespmem:s14+$0x30] =	vst v5;
	v2 =	vmovc v14  }
0x35: {  	v16 =	vmulhi.u32 $0x4EC4EC4F, v8;
	v9 =	vor.u32 s17, v0;
	s17 =	sadd.s32 $0x50, s16;
	v5 =	vshrl.u32 v12, $0x3;
	[tilespmem:s13+$0xFFFFFFF0] =	vst v3;
	s13 =	smov.u32 s14  }
0x36: {  	v19 =	vmulhi.u32 $0x4EC4EC4F, v9;
	v10 =	vor.u32 s17, v0;
	s17 =	sadd.s32 $0x60, s16;
	v3 =	vmul.u32 $0x1A, v5  }
.Ltmp0:
0x37: {  	s16 =	sadd.s32 $0x70, s16;
	v20 =	vmulhi.u32 $0x4EC4EC4F, v10;
	v6 =	vor.u32 s17, v0;
	(pc) =	sbr.rel @p0 .LBB2_2-.Ltmp0, $4  }
0x38: {  	v5 =	vor.u32 s16, v0;
	v21 =	vmulhi.u32 $0x4EC4EC4F, v6;
	v3 =	vsub.s32 v1, v3;
	v1 =	vmovc v15  }
0x39: {  	v11 =	vshrl.u32 v11, $0x3;
	v12 =	vmulhi.u32 $0x4EC4EC4F, v5;
	v3 =	vmul.u32 $0x186A8, v3  }
0x3a: {  	v14 =	vmul.u32 $0x1A, v11;
	v18 =	vshrl.u32 v13, $0x3;
	s14 =	sadd.s32 $0x80, s14;
	v17 =	vshrl.u32 v16, $0x3  }
0x3b: {  	s15 =	sadd.s32 $0x80, s15;
	v15 =	vshrl.u32 v19, $0x3;
	v16 =	vshrl.u32 v20, $0x3;
	v13 =	vshrl.u32 v21, $0x3;
	v11 =	vld [tilespmem:s14+$0xFFFFFFC0]  }
0x3c: {  	v18 =	vmul.u32 $0x1A, v18;
	v17 =	vmul.u32 $0x1A, v17;
	v4 =	vsub.s32 v4, v14  }
0x3d: {  	v19 =	vld [tilespmem:s14+$0xFFFFFFD0];
	v12 =	vshrl.u32 v12, $0x3;
	v15 =	vmul.u32 $0x1A, v15;
	v16 =	vmul.u32 $0x1A, v16  }
0x3e: {  	v49 =	vld [tilespmem:s14+$0xFFFFFFE0];
	v13 =	vmul.u32 $0x1A, v13;
	v55 =	vmulhi.u32 $0x4EC4EC4F, v1;
	v4 =	vmul.u32 $0x186A8, v4  }
0x3f: {  	v50 =	vld [tilespmem:s14+$0x0];
	v12 =	vmul.u32 $0x1A, v12;
	v7 =	vsub.s32 v7, v18;
	v8 =	vsub.s32 v8, v17  }
0x40: {  	v51 =	vld [tilespmem:s14+$0x10];
	v9 =	vsub.s32 v9, v15;
	v54 =	vsub.s32 v10, v16;
	v7 =	vmul.u32 $0x186A8, v7  }
0x41: {  	v52 =	vld [tilespmem:s14+$0x20];
	v6 =	vsub.s32 v6, v13;
	v8 =	vmul.u32 $0x186A8, v8;
	v4 =	vadd.s32 v4, v11  }
0x42: {  	v56 =	vld [tilespmem:s14+$0x30];
	v10 =	vshrl.u32 v55, $0x3;
	v53 =	vmul.u32 $0x186A8, v9;
	v7 =	vadd.s32 v7, v19;
	[tilespmem:s14+$0xFFFFFFC0] =	vst v4  }
0x43: {  	v58 =	vmul.u32 $0x186A8, v54;
	v6 =	vmul.u32 $0x186A8, v6;
	v57 =	vadd.s32 v8, v49;
	[tilespmem:s14+$0xFFFFFFD0] =	vst v7  }
0x44: {  	v59 =	vld [tilespmem:s14+$0xFFFFFFF0];
	v5 =	vsub.s32 v5, v12;
	v60 =	vmul.u32 $0x1A, v10;
	v4 =	vadd.s32 v53, v50;
	[tilespmem:s14+$0xFFFFFFE0] =	vst v57  }
0x45: {  	v5 =	vmul.u32 $0x186A8, v5;
	v61 =	vadd.s32 v58, v51;
	[tilespmem:s14+$0x0] =	vst v4  }
0x46: {  	v62 =	vadd.s32 v6, v52;
	v1 =	vsub.s32 v1, v60;
	[tilespmem:s14+$0x10] =	vst v61  }
0x47: {  	[tilespmem:s14+$0x20] =	vst v62;
	v63 =	vadd.s32 v5, v56;
	v1 =	vmul.u32 $0x186A8, v1  }
0x48: {  	v2 =	vadd.s32 v3, v2;
	[tilespmem:s14+$0x30] =	vst v63  }
0x49: {  	[tilespmem:s13+$0xFFFFFFF0] =	vst v2;
	v1 =	vadd.s32 v1, v59  }
0x4a: {  	s13 =	simm.s32 $0x0;
	[tilespmem:s14+$0xFFFFFFF0] =	vst v1  }
.LBB2_4:
0x4b: {  	s15 =	smul.u32 $0x340, s13  }
0x4c: {  	s14 =	simm.s32 $0x3400;
	p0 =	por $0x1, $0x1  }
0x4d: {  	[tilespmem:s14], [sflag:$0x1] =	stream.indirect.gather [hbm4b:s5+s10], $0x80, s15, s10, $0xb8;
	[tilespmem:$0x1D400] =	vst v63  }
.Ltmp1:
0x4e: {  	_ = 	snop;
	(pc) =	sbr.rel @!p0 .LBB2_6-.Ltmp1, $4  }
0x4f: {  	s15 =	sadd.s32 s4, s15  }
0x50: {  	_ =	swait.ge [sflag:s11], $0x1A000;
	s15 =	sshll.u32 s15, $0x2  }
0x51: {  	s16 =	simm.s32 $0x4;
	[sflag:s11] =	ssyncset.done $0x0;
	s15 =	sadd.s32 s2, s15  }
0x52: {  	s17 =	simm.s32 $0x3480;
	[sflag:s11] =	ssyncadd.s32 $0xFFFE6000;
	s18 =	sadd.s32 $0x0, s15  }
.LBB2_5:
0x53: {  	[hbm4b:s18+s3] =	stream.linear.scatter [tilespmem:s14], [sflag:$0x2], $0x20, $0x38;
	[tilespmem:$0x1D400] =	vst v63  }
0x54: {  	s18 =	smov.u32 s16;
	s14 =	smov.u32 s17;
	p0 =	sne.s32 s16, $0xCFC  }
.Ltmp2:
0x55: {  	s16 =	sadd.s32 $0x4, s16;
	(pc) =	sbr.rel @p0 .LBB2_5-.Ltmp2, $2  }
0x56: {  	_ =	sdelay $0x2  }
0x57: {  	s17 =	sadd.s32 $0x80, s17;
	s18 =	sadd.s32 s18, s15  }
.LBB2_6:
0x58: {  	s13 =	sadd.s32 $0x1, s13  }
0x59: {  	p0 =	sne.s32 s13, $0x10  }
.Ltmp3:
0x5a: {  	_ = 	snop;
	(pc) =	sbr.rel @p0 .LBB2_4-.Ltmp3, $4  }
0x5b: {  	[hbm4b:s18+s3] =	stream.linear.scatter [tilespmem:s14], [sflag:$0x2], $0x20, $0x38;
	[tilespmem:$0x1D400] =	vst v63  }
0x5c: {  	_ =	swait.ge [sflag:s9], $0x6800  }
0x5d: {  	[sflag:s9] =	ssyncset.done $0x0  }
0x5e: {  	[sflag:s9] =	ssyncadd.s32 $0xFFFF9800  }
0x5f: {  	s12 =	sadd.s32 $0x1, s12  }
0x60: {  	p0 =	sne.s32 s12, s7  }
.Ltmp4:
0x61: {  	_ = 	snop;
	(pc) =	sbr.rel @p0 .LBB2_1-.Ltmp4, $1  }
0x62: {  	_ =	sdelay $0x3  }
0x63: {  	_ =	sfence.sel $0x180000  }
0x64: {  	[bflag:$0x0] =	sbarrier.arrive $0xFFFF  }
0x65: {  	p0 =	sne.s32 s0, $0x0;
	_ =	strace $0x9000004A  }
0x66: {  	s0 =	sadd.s32 @!p0 $0x100000, s1;
	[bflag:$0x2] =	sbarrier.arrive $0xFFFF  }
0x67: {  	[sflag:s0] =	ssyncadd.tile.s32 @!p0 $0x1;
	_ =	shalt  }
.Lfunc_end2:
_tile_overlayer_lowered:
.L_overlay_start_2:
0x68: {  	(tag) =	ssettag $0x2  }
0x69: {  	s0 =	rddreg [dreg:$0x0];
	s2 =	stileid.u32  }
0x6a: {  	s1 =	rddreg [dreg:$0x1];
	p0 =	sne.s32 s2, $0x0  }
0x6b: {  	s3 =	rddreg [dreg:$0x2];
	[bflag:$0x3] =	sbarrier.arrive $0xFFFF;
	s2 =	simm.s32 @!p0 $0x1C02  }
0x6c: {  	[timem:s3], [sflag:s2] =	dma.local @!p0 [hbm:s0], s1  }
0x6d: {  	s0 =	simm.s32 @!p0 $0x2  }
0x6e: {  	_ =	swait.ge @!p0 [sflag:s0], s1  }
0x6f: {  	s1 =	ssub.s32 @!p0 $0x0, s1;
	[sflag:s0] =	ssyncset.done @!p0 $0x0  }
0x70: {  	[sflag:s0] =	ssyncadd.s32 @!p0 s1  }
0x71: {  	[bflag:$0x3] =	sbarrier.arrive $0xFFFF  }
0x72: {  	_ =	shalt  }

// kernel: sparse-core-data-format-call.1.cloned.1.call-start
scs
called_computation.1_lowered:
.L_overlay_start_0:
0x0: {  	s2 =	sld [smem:$0x3FD9]  }
0x1: {  	s3 =	sld [smem:$0x3FFE];
	_ =	sdelay $0x1  }
0x2: {  	s1 =	srdreg.scid  }
0x3: {  	s0 =	sand.u32 $0x1, s1  }
0x4: {  	s18 =	sshll.u32 s0, $0xA;
	s2 =	sadd.s32 s3, s2  }
0x5: {  	s2 =	sadd.s32 s2, s18  }
0x6: {  	[smem:$0x3FC6] =	sst s2  }
0x7: {  	_ = 	snop  }
0x8: {  	s2 =	sld [smem:$0x3FC8];
	(tm) =	ssettm $0x1  }
0x9: {  	s19 =	sld [smem:$0x3FFB];
	_ =	sdelay $0x3  }
0xa: {  	_ =	strace s19  }
0xb: {  	s3 =	sld [smem:$0x3FFC];
	_ =	sdelay $0x3  }
0xc: {  	_ =	strace s3  }
0xd: {  	s3 =	sld [smem:$0x3FFD];
	_ =	sdelay $0x3  }
0xe: {  	_ =	strace s3  }
0xf: {  	_ =	strace $0x8FFFFFFF  }
0x10: {  	s20 =	sld [smem:$0x3FDB];
	_ =	sdelay $0x1  }
0x11: {  	s4 =	simm.s32 $_scs_section_size  }
0x12: {  	s5 =	simm.s32 $_size__tile_overlayer_lowered;
	s6 =	simm.s32 $_tile_overlayer_lowered  }
0x13: {  	s23 =	simm.s32 $0x1BFF;
	s22 =	sshll.u32 s6, $0x1;
	s3 =	sadd.s32 s4, s20  }
0x14: {  	s7 =	simm.s32 $0x0;
	s21 =	sshll.u32 s5, $0x1;
	s5 =	sadd.s32 s22, s3  }
0x15: {  	[timem:s7], [sflag:s23] =	dma.local [hbm:s5], s21  }
0x16: {  	_ =	swait.ge [sflag:s23], s21  }
0x17: {  	s4 =	ssub.s32 $0x0, s21;
	[sflag:s23] =	ssyncset.done $0x0  }
0x18: {  	[sflag:s23] =	ssyncadd.s32 s4;
	_ =	sdelay $0x1  }
0x19: {  	s24 =	simm.s32 $0x1B8B  }
0x1a: {  	_ =	swait.ge [sflag:s24], $0x1  }
0x1b: {  	[sflag:s24] =	ssyncset.done $0x0  }
0x1c: {  	s26 =	simm.s32 $0x1B8E;
	s25 =	sld [smem:$0x3FFE];
	[sflag:s24] =	ssyncadd.s32 $0xFFFFFFFF  }
0x1d: {  	s27 =	simm.s32 $execute0_lowered;
	[smem:$0x3FD2] =	sst s26  }
0x1e: {  	s5 =	sshll.u32 s27, $0x1;
	_ =	strace $0x80000046;
	[dreg:$0x1] =	wrdreg $0xFFFFFFFF  }
0x1f: {  	s28 =	simm.s32 $_size_execute0_lowered;
	s3 =	sadd.s32 s3, s5;
	[dreg:$0x0] =	wrdreg $0x0  }
0x20: {  	s5 =	sshll.u32 s28, $0x1;
	[dreg:$0x2] =	wrdreg s3  }
0x21: {  	[dreg:$0x3] =	wrdreg s5  }
0x22: {  	[dreg:$0x4] =	wrdreg $0xC0  }
0x23: {  	_ =	task [dreg:s7], $0x5FFFF  }
0x24: {  	[dreg:$0x1] =	wrdreg $0xFFFFFFFF  }
0x25: {  	[dreg:$0x0] =	wrdreg $0x60  }
0x26: {  	[dreg:$0x2] =	wrdreg s2  }
0x27: {  	[dreg:$0x3] =	wrdreg s25  }
0x28: {  	[dreg:$0x4] =	wrdreg $0x9  }
0x29: {  	_ =	task.clear_ibuf [dreg:s7], $0x5FFFF;
	_ =	strace $0x90000046  }
0x2a: {  	s29 =	simm.s32 $0x9;
	_ =	strace $0x80000048  }
0x2b: {  	_ =	swait.ge [sflag:s29], $0x1  }
0x2c: {  	[sflag:s29] =	ssyncadd.s32 $0xFFFFFFFF  }
0x2d: {  	_ =	strace $0x90000048  }
0x2e: {  	_ =	sfence  }
0x2f: {  	s30 =	sld [smem:$0x0];
	_ =	sdelay $0x2  }
0x30: {  	s31 =	sshll.u32 s1, $0xD;
	s1 =	sshrl.u32 s1, $0x2  }
0x31: {  	s3 =	sand.u32 $0x4000, s31;
	s1 =	sadd.s32 s1, s30  }
0x32: {  	s0 =	sor.u32 s3, s0;
	s1 =	sshll.u32 s1, $0x11  }
0x33: {  	s0 =	sor.u32 s1, s0  }
0x34: {  	s0 =	sadd.s32 $0x8F2B, s0  }
0x35: {  	[sflag:s0] =	ssyncadd.remote.s32 $0x1  }
0x36: {  	_ =	sfence.sel $0xFFFF  }
0x37: {  	[dreg:$0x0] =	wrdreg $0xFFFFFFFF;
	(pc) =	sbr.abs _section_cstart, $3  }
0x38: {  	[dreg:$0x1] =	wrdreg $0xFFFFFFFF  }
0x39: {  	_ =	task.clear_ibuf [dreg:s7], $0x2FFFF;
	_ =	strace $0x9FFFFFFF  }
0x3a: {  	(tm) =	ssettm $0x7FFFFFFF  }
0x3b: {  	_ =	shalt  }
tec
execute0_lowered:
.L_overlay_start_1:
0x0: {  	(tag) =	ssettag $0x1  }
0x1: {  	s2 =	rddreg [dreg:$0x0]  }
0x2: {  	s0 =	srdreg.scid;
	s5 =	rddreg [dreg:$0x1]  }
0x3: {  	s31 =	simm.s32 $0x2;
	s16 =	simm.s32 $0x0;
	p0 =	por $0x0, $0x0  }
0x4: {  	s8 =	simm.s32 $0x80;
	s17 =	simm.s32 $0x0;
	s1 =	sshll.u32 s0, $0x4  }
0x5: {  	s18 =	simm.s32 $0x0;
	s0 =	stileid.u32;
	s1 =	sand.u32 $0x10, s1  }
0x6: {  	s9 =	simm.s32 $0x0;
	s10 =	simm.s32 $0x0;
	s1 =	sor.u32 s0, s1  }
0x7: {  	s11 =	simm.s32 $0x0;
	s13 =	simm.s32 $0x0;
	s3 =	sshll.u32 s1, $0x8  }
.Ltmp0:
0x8: {  	s14 =	simm.s32 $0x0;
	s4 =	ssub.s32 $0x18600, s3;
	(pc) =	sbr.rel .LBB1_1-.Ltmp0, $4  }
0x9: {  	s15 =	simm.s32 $0x0;
	s1 =	rddreg [dreg:$0x2];
	s6 =	sshrl.u32 s4, $0xD  }
0xa: {  	_ =	strace $0x80000047;
	s4 =	simm.s32 $0x1;
	s7 =	smul.u32 $0x1A, s6  }
0xb: {  	s5 =	sadd.s32 $0xE00, s5;
	s12 =	smov.u32 s3;
	[sflag:s4] =	ssyncpa.u1 $0x0  }
0xc: {  	[sflag:s31] =	ssyncpa.u1 $0x0;
	s6 =	sadd.s32 $0x1A, s7;
	s7 =	sadd.s32 $0x1B, s7  }
.LBB1_5:
0xd: {  	p1 =	slt.u32 s15, $0x2  }
0xe: {  	s19 =	smov.u32 s18;
	p2 =	sgt.s32 @!p1 s18, $0x19  }
0xf: {  	s20 =	sshra.s32 @!p1 s18, $0x1F;
	p3 =	sgt.s32 @!p1 s16, $0x185A8;
	p4 =	sgt.s32 @!p1 s17, $0x60  }
0x10: {  	s21 =	sshra.s32 @!p1 s17, $0x1F;
	p2 =	por !p2, p1;
	s18 =	sand.u32 @!p1 s20, s18  }
0x11: {  	p4 =	por !p4, p1;
	s20 =	smov.u32 s17;
	s19 =	simm.s32 @p2 $0x19  }
0x12: {  	s17 =	sand.u32 @!p1 s21, s17;
	s20 =	simm.s32 @p4 $0x60;
	s18 =	ssub.s32 @!p1 s19, s18  }
0x13: {  	p3 =	por !p3, p1;
	s17 =	ssub.s32 @!p1 s20, s17;
	s19 =	sadd.s32 @!p1 $0xFFFFFFE7, s18  }
0x14: {  	s20 =	sshra.s32 @!p1 s16, $0x1F;
	s18 =	ssub.s32 @!p1 $0x1A, s18;
	p2 =	sgt.s32 @!p1 s19, $0x0  }
0x15: {  	s19 =	smov.u32 s16;
	s16 =	sand.u32 @!p1 s20, s16;
	s20 =	sadd.s32 @!p1 $0xFFFFFFA0, s17  }
0x16: {  	s17 =	ssub.s32 @!p1 $0x80, s17;
	s19 =	simm.s32 @p3 $0x185A8;
	p2 =	por !p2, p1  }
0x17: {  	s18 =	simm.s32 @!p2 $0x0;
	s16 =	ssub.s32 @!p1 s19, s16;
	p2 =	sgt.s32 @!p1 s20, $0x1F  }
0x18: {  	s20 =	smov.u32 s13;
	s19 =	sadd.s32 @!p1 $0xFFFE7A58, s16;
	p2 =	por !p2, p1  }
0x19: {  	s16 =	ssub.s32 @!p1 $0x186A8, s16;
	s17 =	simm.s32 @!p2 $0x0;
	p2 =	sgt.s32 @!p1 s19, $0xFF  }
0x1a: {  	s19 =	sadd.s32 $0x2000, s12;
	p2 =	por !p2, p1;
	s17 =	smul.u32 @!p1 s18, s17  }
0x1b: {  	s18 =	sadd.s32 $0x20, s13;
	s16 =	simm.s32 @!p2 $0x0;
	p2 =	sgt.s32 s19, $0x186A0  }
0x1c: {  	s16 =	smul.u32 @!p1 s16, s17;
	s20 =	smov.u32 @p2 s18  }
0x1d: {  	s19 =	smov.u32 @p2 s3;
	s17 =	simm.s32 $0x1;
	p2 =	sgt.s32 s20, $0x1F  }
0x1e: {  	s17 =	simm.s32 @!p2 $0x0  }
0x1f: {  	p0 =	por !p0, !p0;
	s23 =	sadd.s32 s17, s14  }
0x20: {  	s21 =	simm.s32 @!p1 $0x2;
	s20 =	simm.s32 @p2 $0x0;
	p2 =	sgt.s32 s23, $0x19  }
0x21: {  	s18 =	smov.u32 s11;
	s23 =	simm.s32 @p2 $0x0;
	p2 =	sne.s32 s15, s7  }
.Ltmp1:
0x22: {  	s11 =	smov.u32 s14;
	s16 =	sand.u32 @!p1 $0x3FFFFFFF, s16;
	(pc) =	sbr.rel @!p2 .LBB1_6-.Ltmp1, $4  }
0x23: {  	_ =	swait.ge @!p1 [sflag:s21], s16;
	s22 =	ssub.s32 @!p1 $0x0, s16;
	s16 =	smov.u32 s9  }
0x24: {  	s17 =	smov.u32 s10;
	s9 =	smov.u32 s12;
	s10 =	smov.u32 s13  }
0x25: {  	s12 =	smov.u32 s19;
	s13 =	smov.u32 s20;
	[sflag:s21] =	ssyncset.done @!p1 $0x0  }
0x26: {  	s15 =	sadd.s32 $0x1, s15;
	[sflag:s21] =	ssyncadd.s32 @!p1 s22;
	s14 =	smov.u32 s23  }
.LBB1_1:
0x27: {  	p1 =	sge.u32 s15, s6  }
0x28: {  	s19 =	sshrl.u32 @!p1 s13, $0x3  }
0x29: {  	s20 =	sshll.u32 @!p1 s12, $0x3;
	s19 =	smul.u32 @!p1 $0xC3800, s19  }
0x2a: {  	s21 =	sshll.u32 @!p1 s13, $0x7;
	s20 =	sand.u32 @!p1 $0xFFFFFC00, s20  }
0x2b: {  	s19 =	sadd.s32 @!p1 s19, s20;
	s20 =	sand.u32 @!p1 $0x380, s21  }
0x2c: {  	s21 =	sand.u32 @!p1 $0x7F, s12;
	s19 =	sor.u32 @!p1 s20, s19  }
0x2d: {  	s20 =	sor.u32 @!p1 s21, s19  }
0x2e: {  	s21 =	smulhi.u32 @!p1 $0xA79C7B17, s20  }
0x2f: {  	s19 =	smulhi.u32 @!p1 $0xA79C7B17, s19  }
0x30: {  	s21 =	sshrl.u32 @!p1 s21, $0x10  }
0x31: {  	s19 =	sshrl.u32 @!p1 s19, $0x10;
	s21 =	smul.u32 @!p1 $0x18700, s21  }
0x32: {  	s22 =	sxor.u32 @!p1 $0xFFFFFFFF, s15;
	s23 =	smul.u32 @!p1 $0x61C00, s14;
	s19 =	sand.u32 @!p1 $0x1F, s19  }
0x33: {  	s22 =	sshll.u32 @!p1 s22, $0xD;
	s19 =	smul.u32 @!p1 $0x30E0, s19;
	s20 =	ssub.s32 @!p1 s20, s21  }
0x34: {  	s21 =	sand.u32 @!p1 $0x2000, s22;
	s22 =	sadd.s32 @!p1 s2, s23;
	s23 =	sand.u32 @!p1 $0x7, s20  }
0x35: {  	s20 =	sshrl.u32 @!p1 s20, $0x3;
	s19 =	sadd.s32 @!p1 s19, s22;
	s22 =	sshll.u32 @!p1 s23, $0x12  }
0x36: {  	s19 =	sadd.s32 @!p1 s20, s19;
	s20 =	sor.u32 @!p1 $0x800, s22;
	s22 =	simm.s32 @!p1 $0xC3800  }
0x37: {  	[tilespmem:s21], [sflag:$0x1] =	stream.strided.gather @!p1 [hbm4b:s19+s20], $0x2000, s22, s20, $0x38;
	[tilespmem:$0x8200] =	vst v63  }
0x38: {  	p1 =	seq.s32 s15, $0x0  }
0x39: {  	p2 =	sge.u32 @!p1 s15, s7  }
0x3a: {  	p1 =	por p1, p2  }
.Ltmp2:
0x3b: {  	_ = 	snop;
	(pc) =	sbr.rel @p1 .LBB1_5-.Ltmp2, $1  }
0x3c: {  	_ =	sdelay $0x3  }
0x3d: {  	s21 =	simm.s32 $0x0  }
0x3e: {  	s22 =	sand.u32 $0x1800, s21;
	s23 =	sand.u32 $0x380, s21  }
0x3f: {  	s19 =	sand.u32 $0x1, s15;
	s23 =	sor.u32 s23, s22  }
0x40: {  	_ =	swait.ge [sflag:s4], $0x2000;
	s20 =	sshll.u32 s19, $0xD;
	s22 =	sand.u32 $0x1B00, s23  }
0x41: {  	[sflag:s4] =	ssyncset.done $0x0;
	s21 =	sand.u32 $0x80, s21;
	s22 =	sadd.s32 s22, s20  }
0x42: {  	[sflag:s4] =	ssyncadd.s32 $0xFFFFE000;
	s25 =	sadd.s32 s21, s22  }
0x43: {  	v4 =	vld [tilespmem:s25+$0x400]  }
0x44: {  	s24 =	simm.s32 $0x1;
	v5 =	vld [tilespmem:s25+$0x0]  }
0x45: {  	s24 =	simm.s32 @!p0 $0x0;
	v6 =	vld [tilespmem:s25+$0x10]  }
0x46: {  	v0 =	vmov s20;
	s31 =	smul.u32 $0x8400, s24;
	v7 =	vld [tilespmem:s25+$0x20]  }
0x47: {  	v9 =	vld [tilespmem:s25+$0x30]  }
0x48: {  	s21 =	sshrl.u32 s31, $0x2;
	v10 =	vld [tilespmem:s25+$0x40]  }
0x49: {  	s21 =	sor.u32 $0x4000, s21;
	v11 =	vld [tilespmem:s25+$0x50]  }
0x4a: {  	v8 =	vld [tilespmem:s25+$0x60];
	s22 =	sadd.s32 $0x0, s21  }
0x4b: {  	v1 =	vld.idx.msk [tilespmem:v0+s23+$0x410 ss:$0x1], $0xffff;
	[tilespmem:s22+$0x1080 ss:$0x21] =	vst.msk $0xffff, v4  }
0x4c: {  	v2 =	vld.idx.msk [tilespmem:v0+s23+$0x420 ss:$0x1], $0xffff;
	[tilespmem:s22+$0x0 ss:$0x21] =	vst.msk $0xffff, v5  }
0x4d: {  	v3 =	vld.idx.msk [tilespmem:v0+s23+$0x430 ss:$0x1], $0xffff;
	[tilespmem:s22+$0x210 ss:$0x21] =	vst.msk $0xffff, v6  }
0x4e: {  	s19 =	smul.u32 $0x8400, s19;
	[tilespmem:s22+$0x420 ss:$0x21] =	vst.msk $0xffff, v7;
	v7 =	vld [tilespmem:s25+$0x70]  }
0x4f: {  	s26 =	simm.s32 $0x80;
	s27 =	simm.s32 $0x8;
	[tilespmem:s22+$0x630 ss:$0x21] =	vst.msk $0xffff, v9;
	v4 =	vld.idx.msk [tilespmem:v0+s23+$0x440 ss:$0x1], $0xffff  }
0x50: {  	s29 =	sand.u32 $0x380, s26;
	s19 =	sshrl.u32 s19, $0x2;
	[tilespmem:s22+$0x840 ss:$0x21] =	vst.msk $0xffff, v10;
	v5 =	vld.idx.msk [tilespmem:v0+s23+$0x450 ss:$0x1], $0xffff;
	s25 =	simm.s32 $0x100  }
0x51: {  	s24 =	simm.s32 $0x4;
	s19 =	sor.u32 $0x4000, s19;
	[tilespmem:s22+$0xA50 ss:$0x21] =	vst.msk $0xffff, v11;
	v6 =	vld.idx.msk [tilespmem:v0+s23+$0x460 ss:$0x1], $0xffff;
	s28 =	sand.u32 $0x1800, s25  }
.LBB1_3:
0x52: {  	p1 =	sne.s32 s27, $0x7C;
	[tilespmem:s22+$0xC60 ss:$0x21] =	vst.msk $0xffff, v8;
	v8 =	vld.idx.msk [tilespmem:v0+s23+$0x470 ss:$0x1], $0xffff;
	s23 =	sor.u32 s29, s28  }
0x53: {  	s28 =	sand.u32 $0x1B00, s23;
	v9 =	vld.idx.msk [tilespmem:v0+s23+$0x410 ss:$0x1], $0xffff;
	[tilespmem:s22+$0xE70 ss:$0x21] =	vst.msk $0xffff, v7  }
0x54: {  	s29 =	sand.u32 $0x80, s26;
	s28 =	sadd.s32 s28, s20;
	v7 =	vld.idx.msk [tilespmem:v0+s23+$0x420 ss:$0x1], $0xffff;
	[tilespmem:s22+$0x1290 ss:$0x21] =	vst.msk $0xffff, v1  }
0x55: {  	s28 =	sadd.s32 s29, s28;
	v10 =	vld.idx.msk [tilespmem:v0+s23+$0x430 ss:$0x1], $0xffff;
	[tilespmem:s22+$0x14A0 ss:$0x21] =	vst.msk $0xffff, v2  }
0x56: {  	v11 =	vld [tilespmem:s28+$0x400];
	[tilespmem:s22+$0x16B0 ss:$0x21] =	vst.msk $0xffff, v3  }
0x57: {  	v12 =	vld [tilespmem:s28+$0x0];
	[tilespmem:s22+$0x18C0 ss:$0x21] =	vst.msk $0xffff, v4  }
0x58: {  	v4 =	vld [tilespmem:s28+$0x10];
	[tilespmem:s22+$0x1AD0 ss:$0x21] =	vst.msk $0xffff, v5  }
0x59: {  	s29 =	sshra.s32 s24, $0x2;
	s24 =	smov.u32 s27;
	v1 =	vmov v9;
	v5 =	vld [tilespmem:s28+$0x20];
	[tilespmem:s22+$0x1CE0 ss:$0x21] =	vst.msk $0xffff, v6  }
0x5a: {  	v2 =	vmov v7;
	v6 =	vld [tilespmem:s28+$0x30];
	[tilespmem:s22+$0x1EF0 ss:$0x21] =	vst.msk $0xffff, v8;
	s22 =	sadd.s32 s29, s21  }
0x5b: {  	v3 =	vmov v10;
	v9 =	vld [tilespmem:s28+$0x40];
	[tilespmem:s22+$0x1080 ss:$0x21] =	vst.msk $0xffff, v11  }
0x5c: {  	[tilespmem:s22+$0x0 ss:$0x21] =	vst.msk $0xffff, v12;
	v10 =	vld [tilespmem:s28+$0x50]  }
.Ltmp3:
0x5d: {  	[tilespmem:s22+$0x210 ss:$0x21] =	vst.msk $0xffff, v4;
	v8 =	vld [tilespmem:s28+$0x60];
	(pc) =	sbr.rel @p1 .LBB1_3-.Ltmp3, $4  }
0x5e: {  	[tilespmem:s22+$0x420 ss:$0x21] =	vst.msk $0xffff, v5;
	v7 =	vld [tilespmem:s28+$0x70]  }
0x5f: {  	[tilespmem:s22+$0x630 ss:$0x21] =	vst.msk $0xffff, v6;
	v4 =	vld.idx.msk [tilespmem:v0+s23+$0x440 ss:$0x1], $0xffff  }
0x60: {  	s26 =	sadd.s32 $0x80, s26;
	s25 =	sadd.s32 $0x100, s25;
	[tilespmem:s22+$0x840 ss:$0x21] =	vst.msk $0xffff, v9;
	v5 =	vld.idx.msk [tilespmem:v0+s23+$0x450 ss:$0x1], $0xffff  }
0x61: {  	s27 =	sadd.s32 $0x4, s27;
	s29 =	sand.u32 $0x380, s26;
	s28 =	sand.u32 $0x1800, s25;
	[tilespmem:s22+$0xA50 ss:$0x21] =	vst.msk $0xffff, v10;
	v6 =	vld.idx.msk [tilespmem:v0+s23+$0x460 ss:$0x1], $0xffff  }
0x62: {  	_ =	sdelay $0x3  }
0x63: {  	s25 =	sor.u32 s29, s28;
	v47 =	vld.idx.msk [tilespmem:v0+s23+$0x470 ss:$0x1], $0xffff  }
0x64: {  	[tilespmem:s22+$0xC60 ss:$0x21] =	vst.msk $0xffff, v8;
	v57 =	vld.idx.msk [tilespmem:v0+s25+$0x410 ss:$0x1], $0xffff  }
0x65: {  	[tilespmem:s22+$0x1290 ss:$0x21] =	vst.msk $0xffff, v1;
	v58 =	vld.idx.msk [tilespmem:v0+s25+$0x420 ss:$0x1], $0xffff  }
0x66: {  	[tilespmem:s22+$0x14A0 ss:$0x21] =	vst.msk $0xffff, v2;
	v59 =	vld.idx.msk [tilespmem:v0+s25+$0x430 ss:$0x1], $0xffff  }
0x67: {  	[tilespmem:s22+$0x16B0 ss:$0x21] =	vst.msk $0xffff, v3;
	v60 =	vld.idx.msk [tilespmem:v0+s25+$0x440 ss:$0x1], $0xffff  }
0x68: {  	s26 =	sand.u32 $0x80, s26;
	s27 =	sand.u32 $0x1B00, s25;
	[tilespmem:s22+$0xE70 ss:$0x21] =	vst.msk $0xffff, v7;
	v61 =	vld.idx.msk [tilespmem:v0+s25+$0x450 ss:$0x1], $0xffff  }
0x69: {  	s29 =	sshll.u32 s10, $0x3;
	s24 =	sshra.s32 s24, $0x2;
	v62 =	vld.idx.msk [tilespmem:v0+s25+$0x460 ss:$0x1], $0xffff;
	s20 =	sadd.s32 s27, s20;
	[tilespmem:s22+$0x18C0 ss:$0x21] =	vst.msk $0xffff, v4  }
0x6a: {  	p1 =	sgt.s32 s11, $0x19;
	s31 =	sand.u32 $0xFFFFFC00, s29;
	v63 =	vld.idx.msk [tilespmem:v0+s25+$0x470 ss:$0x1], $0xffff;
	s23 =	sadd.s32 s26, s20;
	[tilespmem:s22+$0x1AD0 ss:$0x21] =	vst.msk $0xffff, v5  }
0x6b: {  	p2 =	sgt.s32 s10, $0x60;
	s29 =	sshra.s32 s11, $0x1F;
	s25 =	smul.u32 $0x186A80, s11;
	v48 =	vld [tilespmem:s23+$0x400];
	[tilespmem:s22+$0x1CE0 ss:$0x21] =	vst.msk $0xffff, v6  }
0x6c: {  	s26 =	sshll.u32 s9, $0x7;
	s20 =	sadd.s32 s24, s21;
	s24 =	sand.u32 s29, s11;
	v49 =	vld [tilespmem:s23+$0x0];
	[tilespmem:s22+$0x1EF0 ss:$0x21] =	vst.msk $0xffff, v47  }
0x6d: {  	s29 =	sshra.s32 s9, $0x1F;
	v50 =	vld [tilespmem:s23+$0x10];
	s30 =	sand.u32 $0xFFFFFC00, s26;
	s28 =	sand.u32 $0x380, s26;
	[tilespmem:s20+$0x1290 ss:$0x21] =	vst.msk $0xffff, v57  }
0x6e: {  	v51 =	vld [tilespmem:s23+$0x20];
	s27 =	sadd.s32 s31, s30;
	s22 =	smov.u32 s11;
	s31 =	sshra.s32 s10, $0x1F;
	[tilespmem:s20+$0x14A0 ss:$0x21] =	vst.msk $0xffff, v58  }
0x6f: {  	v52 =	vld [tilespmem:s23+$0x30];
	s21 =	sor.u32 s28, s27;
	s22 =	simm.s32 @!p1 $0x19;
	s28 =	sand.u32 s31, s10;
	[tilespmem:s20+$0x16B0 ss:$0x21] =	vst.msk $0xffff, v59  }
0x70: {  	v53 =	vld [tilespmem:s23+$0x40];
	s27 =	smov.u32 s9;
	[tilespmem:s20+$0x18C0 ss:$0x21] =	vst.msk $0xffff, v60;
	s21 =	sshrl.u32 s21, $0x7;
	s22 =	ssub.s32 s22, s24  }
0x71: {  	v54 =	vld [tilespmem:s23+$0x50];
	[tilespmem:s20+$0x1AD0 ss:$0x21] =	vst.msk $0xffff, v61;
	s24 =	smov.u32 s10;
	s26 =	smulhi.u32 $0xA7C23D, s21;
	s30 =	sadd.s32 $0xFFFFFFE7, s22  }
0x72: {  	v55 =	vld [tilespmem:s23+$0x60];
	[tilespmem:s20+$0x1CE0 ss:$0x21] =	vst.msk $0xffff, v62;
	s24 =	simm.s32 @!p2 $0x60;
	p2 =	sgt.s32 s9, $0x185A8;
	s22 =	ssub.s32 $0x1A, s22  }
0x73: {  	v56 =	vld [tilespmem:s23+$0x70];
	[tilespmem:s20+$0x1EF0 ss:$0x21] =	vst.msk $0xffff, v63;
	p1 =	sgt.s32 s30, $0x0;
	s23 =	ssub.s32 s24, s28;
	s27 =	simm.s32 @!p2 $0x185A8  }
0x74: {  	[tilespmem:s20+$0x1080 ss:$0x21] =	vst.msk $0xffff, v48;
	s24 =	sand.u32 s29, s9;
	s28 =	sand.u32 $0x7, s10;
	s26 =	sshrl.u32 s26, $0x8  }
0x75: {  	[tilespmem:s20+$0x0 ss:$0x21] =	vst.msk $0xffff, v49;
	s24 =	ssub.s32 s27, s24;
	s30 =	sadd.s32 $0xFFFFFFA0, s23;
	s22 =	simm.s32 @p1 $0x0  }
0x76: {  	[tilespmem:s20+$0x210 ss:$0x21] =	vst.msk $0xffff, v50;
	s23 =	ssub.s32 $0x80, s23;
	s27 =	sshrl.u32 s10, $0x3;
	p1 =	sgt.s32 s30, $0x1F  }
0x77: {  	[tilespmem:s20+$0x420 ss:$0x21] =	vst.msk $0xffff, v51;
	s26 =	smul.u32 $0x186A8, s26;
	s31 =	sadd.s32 $0xFFFE7A58, s24;
	s23 =	simm.s32 @p1 $0x0  }
0x78: {  	[tilespmem:s20+$0x630 ss:$0x21] =	vst.msk $0xffff, v52;
	s24 =	ssub.s32 $0x186A8, s24;
	p1 =	sgt.s32 s31, $0xFF;
	s22 =	smul.u32 s22, s23  }
.Ltmp4:
0x79: {  	[tilespmem:s20+$0x840 ss:$0x21] =	vst.msk $0xffff, v53;
	s24 =	simm.s32 @p1 $0x0;
	s21 =	ssub.s32 s21, s26;
	(pc) =	sbr.rel .LBB1_5-.Ltmp4, $4  }
0x7a: {  	[tilespmem:s20+$0xA50 ss:$0x21] =	vst.msk $0xffff, v54;
	s23 =	sadd.s32 s5, s25;
	s22 =	smul.u32 s24, s22;
	s24 =	sand.u32 $0xF, s27  }
0x7b: {  	[tilespmem:s20+$0xC60 ss:$0x21] =	vst.msk $0xffff, v55;
	s29 =	sshll.u32 s28, $0x12;
	s21 =	sshll.u32 s21, $0x4;
	s23 =	sadd.s32 s24, s23  }
0x7c: {  	[tilespmem:s20+$0xE70 ss:$0x21] =	vst.msk $0xffff, v56;
	s31 =	sor.u32 $0x20, s29;
	s30 =	sand.u32 $0x3FFFFFFF, s22;
	s21 =	sadd.s32 s21, s23  }
0x7d: {  	[hbm4b:s21+s31] =	stream.strided.scatter [tilespmem:s19], [sflag:$0x2], s30, s8, s31, $0x10;
	[tilespmem:$0x8200] =	vst v63  }
.LBB1_6:
0x7e: {  	_ =	sfence.sel $0x180000  }
0x7f: {  	s2 =	simm.s32 $0x1;
	[bflag:$0x0] =	sbarrier.arrive $0xFFFF  }
0x80: {  	s31 =	simm.s32 $0x2;
	[sflag:s2] =	ssyncpa.u1 $0x1  }
0x81: {  	[sflag:s31] =	ssyncpa.u1 $0x1  }
0x82: {  	p0 =	sne.s32 s0, $0x0;
	_ =	strace $0x90000047  }
0x83: {  	s0 =	sadd.s32 @!p0 $0x100000, s1;
	[bflag:$0x2] =	sbarrier.arrive $0xFFFF  }
0x84: {  	[sflag:s0] =	ssyncadd.tile.s32 @!p0 $0x1;
	_ =	shalt  }
.Lfunc_end1:
_tile_overlayer_lowered:
.L_overlay_start_2:
0x85: {  	(tag) =	ssettag $0x2  }
0x86: {  	s0 =	rddreg [dreg:$0x0];
	s2 =	stileid.u32  }
0x87: {  	s1 =	rddreg [dreg:$0x1];
	p0 =	sne.s32 s2, $0x0  }
0x88: {  	s3 =	rddreg [dreg:$0x2];
	[bflag:$0x3] =	sbarrier.arrive $0xFFFF;
	s2 =	simm.s32 @!p0 $0x1C01  }
0x89: {  	[timem:s3], [sflag:s2] =	dma.local @!p0 [hbm:s0], s1  }
0x8a: {  	s0 =	simm.s32 @!p0 $0x1  }
0x8b: {  	_ =	swait.ge @!p0 [sflag:s0], s1  }
0x8c: {  	s1 =	ssub.s32 @!p0 $0x0, s1;
	[sflag:s0] =	ssyncset.done @!p0 $0x0  }
0x8d: {  	[sflag:s0] =	ssyncadd.s32 @!p0 s1  }
0x8e: {  	[bflag:$0x3] =	sbarrier.arrive $0xFFFF  }
0x8f: {  	_ =	shalt  }

// kernel: sparse-core-data-format-call.cloned.1.call-start
scs
called_computation_lowered:
.L_overlay_start_0:
0x0: {  	s2 =	sld [smem:$0x3FD9]  }
0x1: {  	s3 =	sld [smem:$0x3FFE];
	_ =	sdelay $0x1  }
0x2: {  	s1 =	srdreg.scid  }
0x3: {  	s0 =	sand.u32 $0x1, s1  }
0x4: {  	s18 =	sshll.u32 s0, $0xA;
	s2 =	sadd.s32 s3, s2  }
0x5: {  	s2 =	sadd.s32 s2, s18  }
0x6: {  	[smem:$0x3FC6] =	sst s2  }
0x7: {  	_ = 	snop  }
0x8: {  	s2 =	sld [smem:$0x3FD0];
	(tm) =	ssettm $0x1  }
0x9: {  	s19 =	sld [smem:$0x3FFB];
	_ =	sdelay $0x3  }
0xa: {  	_ =	strace s19  }
0xb: {  	s3 =	sld [smem:$0x3FFC];
	_ =	sdelay $0x3  }
0xc: {  	_ =	strace s3  }
0xd: {  	s3 =	sld [smem:$0x3FFD];
	_ =	sdelay $0x3  }
0xe: {  	_ =	strace s3  }
0xf: {  	_ =	strace $0x8FFFFFFF  }
0x10: {  	s20 =	sld [smem:$0x3FDB];
	_ =	sdelay $0x1  }
0x11: {  	s4 =	simm.s32 $_scs_section_size  }
0x12: {  	s5 =	simm.s32 $_size__tile_overlayer_lowered;
	s6 =	simm.s32 $_tile_overlayer_lowered  }
0x13: {  	s23 =	simm.s32 $0x1BFF;
	s22 =	sshll.u32 s6, $0x1;
	s3 =	sadd.s32 s4, s20  }
0x14: {  	s7 =	simm.s32 $0x0;
	s21 =	sshll.u32 s5, $0x1;
	s5 =	sadd.s32 s22, s3  }
0x15: {  	[timem:s7], [sflag:s23] =	dma.local [hbm:s5], s21  }
0x16: {  	_ =	swait.ge [sflag:s23], s21  }
0x17: {  	s4 =	ssub.s32 $0x0, s21;
	[sflag:s23] =	ssyncset.done $0x0  }
0x18: {  	[sflag:s23] =	ssyncadd.s32 s4;
	_ =	sdelay $0x1  }
0x19: {  	s24 =	simm.s32 $0x1B8B  }
0x1a: {  	_ =	swait.ge [sflag:s24], $0x1  }
0x1b: {  	[sflag:s24] =	ssyncset.done $0x0  }
0x1c: {  	s26 =	simm.s32 $0x1B8E;
	s25 =	sld [smem:$0x3FFE];
	[sflag:s24] =	ssyncadd.s32 $0xFFFFFFFF  }
0x1d: {  	s27 =	simm.s32 $execute0_lowered;
	[smem:$0x3FD2] =	sst s26  }
0x1e: {  	s5 =	sshll.u32 s27, $0x1;
	_ =	strace $0x8000004C;
	[dreg:$0x1] =	wrdreg $0xFFFFFFFF  }
0x1f: {  	s28 =	simm.s32 $_size_execute0_lowered;
	s3 =	sadd.s32 s3, s5;
	[dreg:$0x0] =	wrdreg $0x0  }
0x20: {  	s5 =	sshll.u32 s28, $0x1;
	[dreg:$0x2] =	wrdreg s3  }
0x21: {  	[dreg:$0x3] =	wrdreg s5  }
0x22: {  	[dreg:$0x4] =	wrdreg $0xC0  }
0x23: {  	_ =	task [dreg:s7], $0x5FFFF  }
0x24: {  	[dreg:$0x1] =	wrdreg $0xFFFFFFFF  }
0x25: {  	[dreg:$0x0] =	wrdreg $0x60  }
0x26: {  	[dreg:$0x2] =	wrdreg s25  }
0x27: {  	[dreg:$0x3] =	wrdreg s2  }
0x28: {  	[dreg:$0x4] =	wrdreg $0x9  }
0x29: {  	_ =	task.clear_ibuf [dreg:s7], $0x5FFFF;
	_ =	strace $0x9000004C  }
0x2a: {  	s29 =	simm.s32 $0x9;
	_ =	strace $0x8000004E  }
0x2b: {  	_ =	swait.ge [sflag:s29], $0x1  }
0x2c: {  	[sflag:s29] =	ssyncadd.s32 $0xFFFFFFFF  }
0x2d: {  	_ =	strace $0x9000004E  }
0x2e: {  	_ =	sfence  }
0x2f: {  	s30 =	sld [smem:$0x0];
	_ =	sdelay $0x2  }
0x30: {  	s31 =	sshll.u32 s1, $0xD;
	s1 =	sshrl.u32 s1, $0x2  }
0x31: {  	s3 =	sand.u32 $0x4000, s31;
	s1 =	sadd.s32 s1, s30  }
0x32: {  	s0 =	sor.u32 s3, s0;
	s1 =	sshll.u32 s1, $0x11  }
0x33: {  	s0 =	sor.u32 s1, s0  }
0x34: {  	s0 =	sadd.s32 $0x8F2B, s0  }
0x35: {  	[sflag:s0] =	ssyncadd.remote.s32 $0x1  }
0x36: {  	_ =	sfence.sel $0xFFFF  }
0x37: {  	[dreg:$0x0] =	wrdreg $0xFFFFFFFF;
	(pc) =	sbr.abs _section_cstart, $3  }
0x38: {  	[dreg:$0x1] =	wrdreg $0xFFFFFFFF  }
0x39: {  	_ =	task.clear_ibuf [dreg:s7], $0x2FFFF;
	_ =	strace $0x9FFFFFFF  }
0x3a: {  	(tm) =	ssettm $0x7FFFFFFF  }
0x3b: {  	_ =	shalt  }
tec
execute0_lowered:
.L_overlay_start_1:
0x0: {  	(tag) =	ssettag $0x1  }
0x1: {  	s0 =	srdreg.scid  }
0x2: {  	s1 =	sshll.u32 s0, $0x4  }
0x3: {  	s6 =	rddreg [dreg:$0x0];
	s0 =	stileid.u32;
	s1 =	sand.u32 $0x10, s1  }
0x4: {  	s3 =	rddreg [dreg:$0x1];
	s1 =	sor.u32 s0, s1  }
0x5: {  	s5 =	simm.s32 $0x1;
	s31 =	simm.s32 $0x2;
	s2 =	sshll.u32 s1, $0x7  }
0x6: {  	s15 =	simm.s32 $0x0;
	s8 =	simm.s32 $0x20000;
	s4 =	ssub.s32 $0x4000, s2  }
0x7: {  	s14 =	simm.s32 $0x0;
	s9 =	simm.s32 $0x0;
	s30 =	sand.u32 $0xF80, s4  }
0x8: {  	s10 =	simm.s32 $0x0;
	s11 =	simm.s32 $0x0;
	p0 =	sne.s32 s30, $0x0  }
.Ltmp0:
0x9: {  	s7 =	sshrl.u32 s4, $0xC;
	s5 =	simm.s32 @!p0 $0x0;
	(pc) =	sbr.rel .LBB1_1-.Ltmp0, $4  }
0xa: {  	s13 =	simm.s32 $0x0;
	s1 =	rddreg [dreg:$0x2];
	s5 =	sadd.s32 s5, s7  }
0xb: {  	_ =	strace $0x8000004D;
	s4 =	simm.s32 $0x1;
	s5 =	smul.u32 $0x7, s5  }
0xc: {  	s6 =	sadd.s32 $0xE00, s6;
	s12 =	smov.u32 s2;
	[sflag:s4] =	ssyncpa.u1 $0x0  }
0xd: {  	[sflag:s31] =	ssyncpa.u1 $0x0;
	p0 =	por $0x0, $0x0;
	s7 =	sadd.s32 $0x1, s5  }
.LBB1_4:
0xe: {  	s20 =	sshra.s32 s20, $0x2  }
0xf: {  	s28 =	sand.u32 $0x78, s10;
	s21 =	sshll.u32 s9, $0xE;
	s22 =	sshll.u32 s10, $0x3  }
0x10: {  	s24 =	sshll.u32 s9, $0x7;
	p1 =	sgt.s32 s9, $0x2C0;
	s30 =	sshra.s32 s9, $0x1F  }
0x11: {  	s26 =	sshra.s32 s10, $0x1F;
	s19 =	sadd.s32 s20, s19;
	s21 =	sand.u32 $0xFFFE0000, s21  }
0x12: {  	v5 =	vld [tilespmem:s17+$0xFFFFFFD0];
	[tilespmem:s18+$0x2040 ss:$0x81] =	vst.msk $0xffff, v4;
	s23 =	sand.u32 $0xFFFFFC00, s22;
	s29 =	sand.u32 $0x380, s24;
	s22 =	sand.u32 $0x3C00, s22  }
0x13: {  	v58 =	vld [tilespmem:s17+$0xFFFFFFE0];
	[tilespmem:s18+$0x2850 ss:$0x81] =	vst.msk $0xffff, v3;
	s21 =	sadd.s32 s23, s21;
	s20 =	sor.u32 s28, s22;
	s22 =	smov.u32 s9  }
0x14: {  	v59 =	vld [tilespmem:s17+$0xFFFFFFF0];
	[tilespmem:s18+$0x3060 ss:$0x81] =	vst.msk $0xffff, v2;
	s24 =	sand.u32 s30, s9;
	s21 =	sshrl.u32 s21, $0xE;
	s22 =	simm.s32 @!p1 $0x2C0  }
0x15: {  	v60 =	vld [tilespmem:s17+$0x0];
	[tilespmem:s18+$0x0 ss:$0x81] =	vst.msk $0xffff, v1;
	p1 =	sgt.s32 s10, $0x3F80;
	s31 =	ssub.s32 s22, s24;
	s22 =	smov.u32 s10  }
0x16: {  	v61 =	vld [tilespmem:s17+$0x10];
	[tilespmem:s19+$0x3870 ss:$0x81] =	vst.msk $0xffff, v0;
	s25 =	smulhi.u32 $0x4EC4ED, s21;
	s24 =	sand.u32 s26, s10;
	s22 =	simm.s32 @!p1 $0x3F80  }
0x17: {  	v62 =	vld [tilespmem:s17+$0x20];
	s20 =	sor.u32 s29, s20;
	[tilespmem:s19+$0x810 ss:$0x81] =	vst.msk $0xffff, v5;
	s27 =	sadd.s32 $0xFFFFFD40, s31;
	s22 =	ssub.s32 s22, s24  }
0x18: {  	v63 =	vld [tilespmem:s17+$0xFFFFFFC0];
	[tilespmem:s19+$0x1020 ss:$0x81] =	vst.msk $0xffff, v58;
	s18 =	ssub.s32 $0x340, s31;
	s28 =	smul.u32 $0x340, s25;
	s29 =	sadd.s32 $0xFFFFC080, s22  }
0x19: {  	[tilespmem:s19+$0x1830 ss:$0x81] =	vst.msk $0xffff, v59;
	p1 =	sgt.s32 s27, $0x7F;
	s22 =	ssub.s32 $0x4000, s22;
	p2 =	sgt.s32 s29, $0x7F  }
0x1a: {  	s30 =	sand.u32 $0x7, s10;
	[tilespmem:s19+$0x2040 ss:$0x81] =	vst.msk $0xffff, v60;
	s18 =	simm.s32 @p1 $0x0;
	s22 =	simm.s32 @p2 $0x0  }
0x1b: {  	s20 =	sshrl.u32 s20, $0x3;
	[tilespmem:s19+$0x2850 ss:$0x81] =	vst.msk $0xffff, v61;
	s17 =	ssub.s32 s21, s28;
	s18 =	smul.u32 s22, s18  }
0x1c: {  	[tilespmem:s19+$0x3060 ss:$0x81] =	vst.msk $0xffff, v62;
	s20 =	sadd.s32 s3, s20;
	s21 =	sshll.u32 s30, $0x12;
	s17 =	sshll.u32 s17, $0xB  }
0x1d: {  	[tilespmem:s19+$0x0 ss:$0x81] =	vst.msk $0xffff, v63;
	s31 =	sor.u32 $0x400, s21;
	s17 =	sadd.s32 s17, s20;
	s18 =	sand.u32 $0x3FFFFFFF, s18  }
0x1e: {  	[hbm4b:s17+s31] =	stream.strided.scatter [tilespmem:s16], [sflag:$0x2], s18, s8, s31, $0x20;
	[tilespmem:$0x10100] =	vst v63  }
.LBB1_5:
0x1f: {  	p1 =	slt.u32 s13, $0x2  }
0x20: {  	s17 =	smov.u32 s15;
	p2 =	sgt.s32 @!p1 s15, $0x2C0;
	s16 =	sshra.s32 @!p1 s15, $0x1F  }
0x21: {  	p3 =	sgt.s32 @!p1 s14, $0x3F80;
	s18 =	sshra.s32 @!p1 s14, $0x1F;
	p2 =	por !p2, p1  }
0x22: {  	s15 =	sand.u32 @!p1 s16, s15;
	p3 =	por !p3, p1;
	s16 =	smov.u32 s14  }
0x23: {  	s14 =	sand.u32 @!p1 s18, s14;
	s17 =	simm.s32 @p2 $0x2C0;
	s16 =	simm.s32 @p3 $0x3F80  }
0x24: {  	s15 =	ssub.s32 @!p1 s17, s15;
	s14 =	ssub.s32 @!p1 s16, s14  }
0x25: {  	s18 =	smov.u32 s12;
	s16 =	sadd.s32 @!p1 $0xFFFFFD40, s15;
	s17 =	sadd.s32 @!p1 $0xFFFFC080, s14  }
0x26: {  	s15 =	ssub.s32 @!p1 $0x340, s15;
	p2 =	sgt.s32 @!p1 s16, $0x7F;
	p3 =	sgt.s32 @!p1 s17, $0x7F  }
0x27: {  	s14 =	ssub.s32 @!p1 $0x4000, s14;
	p2 =	por !p2, p1;
	p3 =	por !p3, p1  }
0x28: {  	s16 =	sadd.s32 $0x80, s11;
	s15 =	simm.s32 @!p2 $0x0;
	s14 =	simm.s32 @!p3 $0x0  }
0x29: {  	p2 =	sgt.s32 s16, $0x33F;
	s14 =	smul.u32 @!p1 s14, s15;
	s15 =	sadd.s32 $0x1000, s12  }
0x2a: {  	s18 =	smov.u32 @p2 s15  }
0x2b: {  	s16 =	simm.s32 @p2 $0x0;
	p2 =	sgt.s32 s18, $0x3FFF  }
0x2c: {  	s18 =	smov.u32 @p2 s2;
	p2 =	sne.s32 s13, s7  }
.Ltmp1:
0x2d: {  	p0 =	por !p0, !p0;
	s17 =	simm.s32 @!p1 $0x2;
	(pc) =	sbr.rel @!p2 .LBB1_6-.Ltmp1, $4  }
0x2e: {  	s15 =	smov.u32 s9;
	s9 =	smov.u32 s11;
	s14 =	sand.u32 @!p1 $0x3FFFFFFF, s14  }
0x2f: {  	s11 =	smov.u32 s16;
	_ =	swait.ge @!p1 [sflag:s17], s14;
	s19 =	ssub.s32 @!p1 $0x0, s14  }
0x30: {  	s14 =	smov.u32 s10;
	s13 =	sadd.s32 $0x1, s13;
	[sflag:s17] =	ssyncset.done @!p1 $0x0  }
0x31: {  	s10 =	smov.u32 s12;
	s12 =	smov.u32 s18;
	[sflag:s17] =	ssyncadd.s32 @!p1 s19  }
.LBB1_1:
0x32: {  	p1 =	sge.u32 s13, s5  }
0x33: {  	s16 =	sshrl.u32 @!p1 s12, $0x3  }
0x34: {  	s17 =	sshll.u32 @!p1 s11, $0x3;
	s16 =	smul.u32 @!p1 $0x1C00, s16  }
0x35: {  	s18 =	sshll.u32 @!p1 s12, $0x7;
	s17 =	sand.u32 @!p1 $0xFFFFFC00, s17  }
0x36: {  	s16 =	sadd.s32 @!p1 s16, s17;
	s17 =	sand.u32 @!p1 $0x380, s18  }
0x37: {  	s16 =	sor.u32 @!p1 s17, s16  }
0x38: {  	s17 =	sshrl.u32 @!p1 s16, $0x7  }
0x39: {  	s17 =	smulhi.u32 @!p1 $0x24924925, s17;
	_ =	sdelay $0x1  }
0x3a: {  	s18 =	sand.u32 @!p1 $0x7F, s11;
	s19 =	smul.u32 @!p1 $0x380, s17  }
0x3b: {  	s31 =	sadd.s32 $0xFFFFFFFF, s13;
	s16 =	sor.u32 @!p1 s18, s16;
	s18 =	sxor.u32 @!p1 $0xFFFFFFFF, s13  }
0x3c: {  	s18 =	sshll.u32 @!p1 s18, $0xE;
	s17 =	sand.u32 @!p1 $0x3FFF, s17;
	s16 =	ssub.s32 @!p1 s16, s19  }
0x3d: {  	s17 =	smul.u32 @!p1 $0x70, s17;
	s19 =	sshrl.u32 @!p1 s16, $0x3;
	s16 =	sand.u32 @!p1 $0x7, s16  }
0x3e: {  	s18 =	sand.u32 @!p1 $0x4000, s18;
	s19 =	sadd.s32 @!p1 s6, s19;
	s16 =	sshll.u32 @!p1 s16, $0x12  }
0x3f: {  	s17 =	sadd.s32 @!p1 s17, s19;
	s16 =	sor.u32 @!p1 $0x400, s16;
	s19 =	simm.s32 @!p1 $0x1C00  }
0x40: {  	[tilespmem:s18], [sflag:$0x1] =	stream.strided.gather @!p1 [hbm4b:s17+s16], $0x4000, s19, s16, $0x38;
	[tilespmem:$0x10100] =	vst v63  }
0x41: {  	p1 =	sge.u32 s31, s5  }
.Ltmp2:
0x42: {  	_ = 	snop;
	(pc) =	sbr.rel @p1 .LBB1_5-.Ltmp2, $1  }
0x43: {  	_ =	sdelay $0x3  }
0x44: {  	s16 =	simm.s32 $0x1  }
0x45: {  	_ =	swait.ge [sflag:s4], $0x4000;
	s16 =	simm.s32 @!p0 $0x0  }
0x46: {  	[sflag:s4] =	ssyncset.done $0x0;
	s17 =	sshll.u32 s16, $0xE  }
0x47: {  	[sflag:s4] =	ssyncadd.s32 $0xFFFFC000;
	s17 =	sor.u32 $0x40, s17  }
0x48: {  	s16 =	smul.u32 $0x10200, s16;
	v0 =	vld [tilespmem:s17+$0x30]  }
0x49: {  	v1 =	vld [tilespmem:s17+$0xFFFFFFD0]  }
0x4a: {  	s16 =	sshrl.u32 s16, $0x2;
	v5 =	vld [tilespmem:s17+$0xFFFFFFE0]  }
0x4b: {  	v6 =	vld [tilespmem:s17+$0xFFFFFFF0];
	s19 =	sor.u32 $0x8000, s16  }
0x4c: {  	s31 =	sand.u32 $0x1, s13;
	v4 =	vld [tilespmem:s17+$0x0];
	s18 =	sadd.s32 $0x0, s19  }
0x4d: {  	v3 =	vld [tilespmem:s17+$0x10];
	s16 =	smul.u32 $0x10200, s31;
	[tilespmem:s18+$0x3870 ss:$0x81] =	vst.msk $0xffff, v0  }
0x4e: {  	v2 =	vld [tilespmem:s17+$0x20];
	[tilespmem:s18+$0x810 ss:$0x81] =	vst.msk $0xffff, v1  }
0x4f: {  	s16 =	sshrl.u32 s16, $0x2;
	v1 =	vld [tilespmem:s17+$0xFFFFFFC0];
	[tilespmem:s18+$0x1020 ss:$0x81] =	vst.msk $0xffff, v5;
	s17 =	sadd.s32 $0x80, s17  }
0x50: {  	s20 =	simm.s32 $0x4;
	s21 =	simm.s32 $0x8;
	s16 =	sor.u32 $0x8000, s16;
	[tilespmem:s18+$0x1830 ss:$0x81] =	vst.msk $0xffff, v6;
	v0 =	vld [tilespmem:s17+$0x30]  }
.LBB1_3:
0x51: {  	p1 =	sne.s32 s21, $0x1FC;
	v5 =	vld [tilespmem:s17+$0xFFFFFFD0];
	[tilespmem:s18+$0x2040 ss:$0x81] =	vst.msk $0xffff, v4  }
0x52: {  	v6 =	vld [tilespmem:s17+$0xFFFFFFE0];
	[tilespmem:s18+$0x2850 ss:$0x81] =	vst.msk $0xffff, v3  }
0x53: {  	s22 =	sshra.s32 s20, $0x2;
	s20 =	smov.u32 s21;
	v7 =	vld [tilespmem:s17+$0xFFFFFFF0];
	[tilespmem:s18+$0x3060 ss:$0x81] =	vst.msk $0xffff, v2  }
.Ltmp3:
0x54: {  	v4 =	vld [tilespmem:s17+$0x0];
	[tilespmem:s18+$0x0 ss:$0x81] =	vst.msk $0xffff, v1;
	s18 =	sadd.s32 s22, s19;
	(pc) =	sbr.rel @p1 .LBB1_3-.Ltmp3, $4  }
0x55: {  	v3 =	vld [tilespmem:s17+$0x10];
	[tilespmem:s18+$0x3870 ss:$0x81] =	vst.msk $0xffff, v0  }
0x56: {  	[tilespmem:s18+$0x810 ss:$0x81] =	vst.msk $0xffff, v5;
	v2 =	vld [tilespmem:s17+$0x20]  }
0x57: {  	v1 =	vld [tilespmem:s17+$0xFFFFFFC0];
	[tilespmem:s18+$0x1020 ss:$0x81] =	vst.msk $0xffff, v6;
	s17 =	sadd.s32 $0x80, s17  }
0x58: {  	s21 =	sadd.s32 $0x4, s21;
	v0 =	vld [tilespmem:s17+$0x30];
	[tilespmem:s18+$0x1830 ss:$0x81] =	vst.msk $0xffff, v7  }
.Ltmp4:
0x59: {  	_ = 	snop;
	(pc) =	sbr.rel .LBB1_4-.Ltmp4, $1  }
0x5a: {  	_ =	sdelay $0x3  }
.LBB1_6:
0x5b: {  	_ =	sfence.sel $0x180000  }
0x5c: {  	s2 =	simm.s32 $0x1;
	[bflag:$0x0] =	sbarrier.arrive $0xFFFF  }
0x5d: {  	s31 =	simm.s32 $0x2;
	[sflag:s2] =	ssyncpa.u1 $0x1  }
0x5e: {  	[sflag:s31] =	ssyncpa.u1 $0x1  }
0x5f: {  	p0 =	sne.s32 s0, $0x0;
	_ =	strace $0x9000004D  }
0x60: {  	s0 =	sadd.s32 @!p0 $0x100000, s1;
	[bflag:$0x2] =	sbarrier.arrive $0xFFFF  }
0x61: {  	[sflag:s0] =	ssyncadd.tile.s32 @!p0 $0x1;
	_ =	shalt  }
.Lfunc_end1:
_tile_overlayer_lowered:
.L_overlay_start_2:
0x62: {  	(tag) =	ssettag $0x2  }
0x63: {  	s0 =	rddreg [dreg:$0x0];
	s2 =	stileid.u32  }
0x64: {  	s1 =	rddreg [dreg:$0x1];
	p0 =	sne.s32 s2, $0x0  }
0x65: {  	s3 =	rddreg [dreg:$0x2];
	[bflag:$0x3] =	sbarrier.arrive $0xFFFF;
	s2 =	simm.s32 @!p0 $0x1C01  }
0x66: {  	[timem:s3], [sflag:s2] =	dma.local @!p0 [hbm:s0], s1  }
0x67: {  	s0 =	simm.s32 @!p0 $0x1  }
0x68: {  	_ =	swait.ge @!p0 [sflag:s0], s1  }
0x69: {  	s1 =	ssub.s32 @!p0 $0x0, s1;
	[sflag:s0] =	ssyncset.done @!p0 $0x0  }
0x6a: {  	[sflag:s0] =	ssyncadd.s32 @!p0 s1  }
0x6b: {  	[bflag:$0x3] =	sbarrier.arrive $0xFFFF  }
0x6c: {  	_ =	shalt  }

</sc_bundles>
